<compile_context>
chip_gen: v7x
topology: tpu7x:2x2x1
jax: 0.10.2.dev20260603
libtpu: 0.0.44.dev20260713+nightly
codegen_flags: <defaults>
</compile_context>

<pallas_src>
import jax
import jax.numpy as jnp
from jax import lax
from jax.experimental import pallas as pl

B, N, D, M, K_TXT = 8, 196, 512, 16, 8
P = B * N
KEEP = max(int(D * 0.1), 1)
PB = 8
NG = 7
PBS = PB * NG
GB = P // PBS
GROUPS = tuple((g * PB, PB) for g in range(NG))
PA = 392
GA = P // PA

_INV_SQRT2 = 0.7071067811865476


def _mlp_kernel(f_ref, tf_ref, w1_ref, b1_ref, g_ref, bt_ref, w2_ref,
                b2_ref, qp_ref):
    tf = tf_ref[...]
    tbar = jnp.mean(tf, axis=0, keepdims=True)
    f = f_ref[...]
    acc = jnp.zeros_like(f)
    for k in range(K_TXT):
        tk = tf[k:k + 1, :] - tbar
        x = f * tk
        h = lax.dot_general(x, w1_ref[...], (((1,), (1,)), ((), ())),
                            preferred_element_type=jnp.float32,
                        precision=lax.Precision.HIGHEST)
        h = h + b1_ref[...]
        mu = jnp.mean(h, axis=-1, keepdims=True)
        hc = h - mu
        var = jnp.mean(hc * hc, axis=-1, keepdims=True)
        hn = hc * lax.rsqrt(var + 1e-5) * g_ref[...] + bt_ref[...]
        acc = acc + 0.5 * hn * (1.0 + lax.erf(hn * _INV_SQRT2))
    qp = lax.dot_general(acc * (1.0 / K_TXT), w2_ref[...],
                         (((1,), (1,)), ((), ())),
                         preferred_element_type=jnp.float32,
                        precision=lax.Precision.HIGHEST)
    qp_ref[...] = qp + b2_ref[...]


def _topk_kernel(f_ref, tmpl_ref, qp_ref, e_ref, out_ref):
    ng = len(GROUPS)
    xs_g = []
    gb_g = []
    for start, npat in GROUPS:
        fg = f_ref[0, start:start + npat, :]
        fr = lax.dot_general(fg, e_ref[:npat, :], (((0,), (0,)), ((), ())),
                             preferred_element_type=jnp.float32,
                             precision=lax.Precision.HIGHEST)
        x = fr * tmpl_ref[...]
        xs_g.append(x)
        gb_g.append(lax.bitcast_convert_type(jnp.abs(x), jnp.int32))
    gbits = jnp.stack(gb_g, axis=0)
    lo = jnp.zeros((ng, 1, PB * M), jnp.int32)
    hi = jnp.full((ng, 1, PB * M), 0x7F800000, jnp.int32)

    def body(_, lh):
        lo_, hi_ = lh
        mid = lo_ + lax.shift_right_arithmetic(hi_ - lo_, 1)
        cnt = jnp.sum((gbits >= mid).astype(jnp.int32), axis=1,
                      keepdims=True)
        pred = cnt >= KEEP
        return (jnp.where(pred, mid, lo_), jnp.where(pred, hi_, mid))

    lo, hi = lax.fori_loop(0, 31, body, (lo, hi), unroll=31)
    for g, (start, npat) in enumerate(GROUPS):
        masked = jnp.where(gb_g[g] >= lo[g], xs_g[g], 0.0)
        for p in range(npat):
            xs = lax.slice(masked, (0, M * p), (D, M * p + M))
            q = qp_ref[0, start + p:start + p + 1, :]
            out_ref[0, start + p] = xs * q


def kernel(F_clean, text_features, W1, b1, ln_g, ln_b, W2, b2, templates):
    f2 = F_clean.reshape(P, D)
    b1r = b1.reshape(1, D)
    gr = ln_g.reshape(1, D)
    btr = ln_b.reshape(1, D)
    b2r = b2.reshape(1, M)
    qp = pl.pallas_call(
        _mlp_kernel,
        grid=(GA,),
        in_specs=[
            pl.BlockSpec((PA, D), lambda i: (i, 0)),
            pl.BlockSpec((K_TXT, D), lambda i: (0, 0)),
            pl.BlockSpec((D, D), lambda i: (0, 0)),
            pl.BlockSpec((1, D), lambda i: (0, 0)),
            pl.BlockSpec((1, D), lambda i: (0, 0)),
            pl.BlockSpec((1, D), lambda i: (0, 0)),
            pl.BlockSpec((M, D), lambda i: (0, 0)),
            pl.BlockSpec((1, M), lambda i: (0, 0)),
        ],
        out_specs=pl.BlockSpec((PA, M), lambda i: (i, 0)),
        out_shape=jax.ShapeDtypeStruct((P, M), jnp.float32),
    )(f2, text_features, W1, b1r, gr, btr, W2, b2r)

    qp3 = qp.reshape(GB, PBS, M)
    f3 = f2.reshape(GB, PBS, D)
    tmpl_tiled = jnp.tile(templates.T, (1, PB))
    e_rep = jnp.repeat(jnp.eye(PB, dtype=jnp.float32), M, axis=1)

    out4 = pl.pallas_call(
        _topk_kernel,
        grid=(GB,),
        in_specs=[
            pl.BlockSpec((1, PBS, D), lambda i: (i, 0, 0)),
            pl.BlockSpec((D, PB * M), lambda i: (0, 0)),
            pl.BlockSpec((1, PBS, M), lambda i: (i, 0, 0)),
            pl.BlockSpec((PB, PB * M), lambda i: (0, 0)),
        ],
        out_specs=pl.BlockSpec((1, PBS, D, M), lambda i: (i, 0, 0, 0)),
        out_shape=jax.ShapeDtypeStruct((GB, PBS, D, M), jnp.float32),
    )(f3, tmpl_tiled, qp3, e_rep)

    return out4.reshape(B, N, D, M)

# --- scband reference (transcript-rebuilt; emitter-appended) ---
"""Pipeline reference for scband-simplified-text-guided-decomposer-1400159338926 (READ-ONLY COPY).

The authoritative reference and input builder live on the scoring server;
editing this copy changes nothing except your own understanding.
"""

import jax, jax.numpy as jnp
import numpy as np

B, N, D, M, K_TXT = 8, 196, 512, 16, 8
SPARSITY_RATIO = 0.1


def setup_inputs(seed: int = 0) -> dict:
    key = jax.random.key(seed)
    ks = jax.random.split(key, 8)
    F_clean = jax.random.normal(ks[0], (B, N, D), dtype=jnp.float32)
    text_features = jax.random.normal(ks[1], (K_TXT, D), dtype=jnp.float32)
    # decompose_mlp params (torch Linear: weight [out,in], bias [out])
    W1 = jax.random.normal(ks[2], (D, D), dtype=jnp.float32) * (1.0 / np.sqrt(D))
    b1 = jnp.zeros((D,), dtype=jnp.float32)
    ln_g = jnp.ones((D,), dtype=jnp.float32)
    ln_b = jnp.zeros((D,), dtype=jnp.float32)
    W2 = jax.random.normal(ks[3], (M, D), dtype=jnp.float32) * (1.0 / np.sqrt(D))
    b2 = jnp.zeros((M,), dtype=jnp.float32)
    # component_templates: orthogonal init [M, D]
    A = jax.random.normal(ks[4], (D, M), dtype=jnp.float32)
    Qm, _ = jnp.linalg.qr(A)
    templates = Qm.T  # [M, D], rows orthonormal
    return {
        'F_clean': F_clean,
        'text_features': text_features,
        'W1': W1, 'b1': b1,
        'ln_g': ln_g, 'ln_b': ln_b,
        'W2': W2, 'b2': b2,
        'templates': templates,
    }


def _mlp(x, W1, b1, ln_g, ln_b, W2, b2):
    h = x @ W1.T + b1
    mu = jnp.mean(h, axis=-1, keepdims=True)
    var = jnp.mean((h - mu) ** 2, axis=-1, keepdims=True)
    h = (h - mu) / jnp.sqrt(var + 1e-5) * ln_g + ln_b
    h = jax.nn.gelu(h, approximate=False)
    return h @ W2.T + b2


def reference(F_clean, text_features, W1, b1, ln_g, ln_b, W2, b2, templates):
    # interaction space: H[b,n,k,d] = F[b,n,d] * T[k,d]
    H = F_clean[:, :, None, :] * text_features[None, None, :, :]  # [B,N,K,D]
    R_H = jnp.mean(H, axis=2, keepdims=True)
    H_clean = H - R_H
    # vectorized over the per-patch python loop: MLP then mean over K
    components = _mlp(H_clean, W1, b1, ln_g, ln_b, W2, b2)  # [B,N,K,M]
    Q_patch_level = jnp.mean(components, axis=2)  # [B,N,M]
    # Q[b,n,d,m] = F[b,n,d] * templates[m,d] * Q_patch[b,n,m]
    Q = F_clean[..., None] * templates.T[None, None, :, :] * Q_patch_level[:, :, None, :]  # [B,N,D,M]
    # sparsity: keep top-k% along D for each (b,n,m) row
    k = max(int(D * SPARSITY_RATIO), 1)
    Q_r = jnp.transpose(Q, (0, 1, 3, 2)).reshape(B * N * M, D)
    _, topk_idx = jax.lax.top_k(jnp.abs(Q_r), k)
    rows = jnp.arange(B * N * M)[:, None]
    mask = jnp.zeros_like(Q_r).at[rows, topk_idx].set(1.0)
    Q_sparse = (Q_r * mask).reshape(B, N, M, D)
    Q_sparse = jnp.transpose(Q_sparse, (0, 1, 3, 2))  # [B,N,D,M]
    return Q_sparse

if __name__ == "__main__":
    import jax
    _d = setup_inputs()
    print(jax.jit(kernel)(*tuple(_d.values())))

</pallas_src>

<mosaic_0001>
module attributes {stable_mosaic.version = 14 : i64} {
  func.func @_mlp_kernel(%arg0: i32, %arg1: memref<392x512xf32, #tpu.memory_space<vmem>>, %arg2: memref<8x512xf32, #tpu.memory_space<vmem>>, %arg3: memref<512x512xf32, #tpu.memory_space<vmem>>, %arg4: memref<1x512xf32, #tpu.memory_space<vmem>>, %arg5: memref<1x512xf32, #tpu.memory_space<vmem>>, %arg6: memref<1x512xf32, #tpu.memory_space<vmem>>, %arg7: memref<16x512xf32, #tpu.memory_space<vmem>>, %arg8: memref<1x16xf32, #tpu.memory_space<vmem>>, %arg9: memref<392x16xf32, #tpu.memory_space<vmem>>) attributes {dimension_semantics = [#tpu.dimension_semantics<arbitrary>], iteration_bounds = array<i64: 4>, scalar_prefetch = 0 : i64, scratch_operands = 0 : i64, tpu.core_type = #tpu.core_type<tc>, window_params = [{transform_indices = @transform_0, window_bounds = array<i64: 392, 512>}, {pipeline_mode = #tpu.pipeline_mode<synchronous>, transform_indices = @transform_1, window_bounds = array<i64: 8, 512>}, {pipeline_mode = #tpu.pipeline_mode<synchronous>, transform_indices = @transform_2, window_bounds = array<i64: 512, 512>}, {pipeline_mode = #tpu.pipeline_mode<synchronous>, transform_indices = @transform_3, window_bounds = array<i64: 1, 512>}, {pipeline_mode = #tpu.pipeline_mode<synchronous>, transform_indices = @transform_4, window_bounds = array<i64: 1, 512>}, {pipeline_mode = #tpu.pipeline_mode<synchronous>, transform_indices = @transform_5, window_bounds = array<i64: 1, 512>}, {pipeline_mode = #tpu.pipeline_mode<synchronous>, transform_indices = @transform_6, window_bounds = array<i64: 16, 512>}, {pipeline_mode = #tpu.pipeline_mode<synchronous>, transform_indices = @transform_7, window_bounds = array<i64: 1, 16>}, {transform_indices = @transform_8, window_bounds = array<i64: 392, 16>}]} {
    %get3A = arith.constant 0 : index
    %get3A_0 = arith.constant 0 : index
    %get3A_1 = vector.load %arg2[%get3A, %get3A_0] : memref<8x512xf32, #tpu.memory_space<vmem>>, vector<8x512xf32>
    %reduce_sum3A = arith.constant dense<0.000000e+00> : vector<512xf32>
    %reduce_sum3A_2 = vector.multi_reduction <add>, %get3A_1, %reduce_sum3A [0] : vector<8x512xf32> to vector<512xf32>
    %broadcast_in_dim3A = vector.shape_cast %reduce_sum3A_2 : vector<512xf32> to vector<1x512xf32>
    %div3A = arith.constant 8.000000e+00 : f32
    %div3A_3 = vector.broadcast %div3A : f32 to vector<1x512xf32>
    %div3A_4 = arith.divf %broadcast_in_dim3A, %div3A_3 : vector<1x512xf32>
    %get3A_5 = arith.constant 0 : index
    %get3A_6 = arith.constant 0 : index
    %get3A_7 = vector.load %arg1[%get3A_5, %get3A_6] : memref<392x512xf32, #tpu.memory_space<vmem>>, vector<392x512xf32>
    %broadcast_in_dim3A_8 = arith.constant 0.000000e+00 : f32
    %broadcast_in_dim3A_9 = vector.broadcast %broadcast_in_dim3A_8 : f32 to vector<392x512xf32>
    %slice3A = vector.extract_strided_slice %get3A_1 {offsets = [0, 0], sizes = [1, 512], strides = [1, 1]} : vector<8x512xf32> to vector<1x512xf32>
    %sub3A = arith.subf %slice3A, %div3A_4 : vector<1x512xf32>
    %mul3A = vector.broadcast %sub3A : vector<1x512xf32> to vector<392x512xf32>
    %mul3A_10 = arith.mulf %get3A_7, %mul3A : vector<392x512xf32>
    %get3A_11 = arith.constant 0 : index
    %get3A_12 = arith.constant 0 : index
    %get3A_13 = vector.load %arg3[%get3A_11, %get3A_12] : memref<512x512xf32, #tpu.memory_space<vmem>>, vector<512x512xf32>
    %dot_general3A = arith.constant dense<0.000000e+00> : vector<392x512xf32>
    %dot_general3A_14 = tpu.matmul %mul3A_10, %get3A_13, %dot_general3A {dimension_numbers = #tpu.dot_dimension_numbers<[1], [1], [0], [0], [0, 0, 1, 0], [], []>, precision = #tpu.contract_precision<fp32>, transpose_lhs_hint = false} : vector<392x512xf32>, vector<512x512xf32>, vector<392x512xf32> -> vector<392x512xf32>
    %get3A_15 = arith.constant 0 : index
    %get3A_16 = arith.constant 0 : index
    %get3A_17 = vector.load %arg4[%get3A_15, %get3A_16] : memref<1x512xf32, #tpu.memory_space<vmem>>, vector<1x512xf32>
    %add3A = vector.broadcast %get3A_17 : vector<1x512xf32> to vector<392x512xf32>
    %add3A_18 = arith.addf %dot_general3A_14, %add3A : vector<392x512xf32>
    %reduce_sum3A_19 = arith.constant dense<0.000000e+00> : vector<392xf32>
    %reduce_sum3A_20 = vector.multi_reduction <add>, %add3A_18, %reduce_sum3A_19 [1] : vector<392x512xf32> to vector<392xf32>
    %broadcast_in_dim3A_21 = vector.shape_cast %reduce_sum3A_20 : vector<392xf32> to vector<392x1xf32>
    %div3A_22 = arith.constant 5.120000e+02 : f32
    %div3A_23 = vector.broadcast %div3A_22 : f32 to vector<392x1xf32>
    %div3A_24 = arith.divf %broadcast_in_dim3A_21, %div3A_23 : vector<392x1xf32>
    %sub3A_25 = vector.broadcast %div3A_24 : vector<392x1xf32> to vector<392x512xf32>
    %sub3A_26 = arith.subf %add3A_18, %sub3A_25 : vector<392x512xf32>
    %mul3A_27 = arith.mulf %sub3A_26, %sub3A_26 : vector<392x512xf32>
    %reduce_sum3A_28 = arith.constant dense<0.000000e+00> : vector<392xf32>
    %reduce_sum3A_29 = vector.multi_reduction <add>, %mul3A_27, %reduce_sum3A_28 [1] : vector<392x512xf32> to vector<392xf32>
    %broadcast_in_dim3A_30 = vector.shape_cast %reduce_sum3A_29 : vector<392xf32> to vector<392x1xf32>
    %div3A_31 = arith.constant 5.120000e+02 : f32
    %div3A_32 = vector.broadcast %div3A_31 : f32 to vector<392x1xf32>
    %div3A_33 = arith.divf %broadcast_in_dim3A_30, %div3A_32 : vector<392x1xf32>
    %add3A_34 = arith.constant 9.99999974E-6 : f32
    %add3A_35 = vector.broadcast %add3A_34 : f32 to vector<392x1xf32>
    %add3A_36 = arith.addf %div3A_33, %add3A_35 : vector<392x1xf32>
    %rsqrt3A = math.rsqrt %add3A_36 : vector<392x1xf32>
    %mul3A_37 = vector.broadcast %rsqrt3A : vector<392x1xf32> to vector<392x512xf32>
    %mul3A_38 = arith.mulf %sub3A_26, %mul3A_37 : vector<392x512xf32>
    %get3A_39 = arith.constant 0 : index
    %get3A_40 = arith.constant 0 : index
    %get3A_41 = vector.load %arg5[%get3A_39, %get3A_40] : memref<1x512xf32, #tpu.memory_space<vmem>>, vector<1x512xf32>
    %mul3A_42 = vector.broadcast %get3A_41 : vector<1x512xf32> to vector<392x512xf32>
    %mul3A_43 = arith.mulf %mul3A_38, %mul3A_42 : vector<392x512xf32>
    %get3A_44 = arith.constant 0 : index
    %get3A_45 = arith.constant 0 : index
    %get3A_46 = vector.load %arg6[%get3A_44, %get3A_45] : memref<1x512xf32, #tpu.memory_space<vmem>>, vector<1x512xf32>
    %add3A_47 = vector.broadcast %get3A_46 : vector<1x512xf32> to vector<392x512xf32>
    %add3A_48 = arith.addf %mul3A_43, %add3A_47 : vector<392x512xf32>
    %mul3A_49 = arith.constant 5.000000e-01 : f32
    %mul3A_50 = vector.broadcast %mul3A_49 : f32 to vector<392x512xf32>
    %mul3A_51 = arith.mulf %mul3A_50, %add3A_48 : vector<392x512xf32>
    %mul3A_52 = arith.constant 0.707106769 : f32
    %mul3A_53 = vector.broadcast %mul3A_52 : f32 to vector<392x512xf32>
    %mul3A_54 = arith.mulf %add3A_48, %mul3A_53 : vector<392x512xf32>
    %erf3A = math.erf %mul3A_54 : vector<392x512xf32>
    %add3A_55 = arith.constant 1.000000e+00 : f32
    %add3A_56 = vector.broadcast %add3A_55 : f32 to vector<392x512xf32>
    %add3A_57 = arith.addf %add3A_56, %erf3A : vector<392x512xf32>
    %mul3A_58 = arith.mulf %mul3A_51, %add3A_57 : vector<392x512xf32>
    %add3A_59 = arith.addf %broadcast_in_dim3A_9, %mul3A_58 : vector<392x512xf32>
    %slice3A_60 = vector.extract_strided_slice %get3A_1 {offsets = [1, 0], sizes = [1, 512], strides = [1, 1]} : vector<8x512xf32> to vector<1x512xf32>
    %sub3A_61 = arith.subf %slice3A_60, %div3A_4 : vector<1x512xf32>
    %mul3A_62 = vector.broadcast %sub3A_61 : vector<1x512xf32> to vector<392x512xf32>
    %mul3A_63 = arith.mulf %get3A_7, %mul3A_62 : vector<392x512xf32>
    %get3A_64 = arith.constant 0 : index
    %get3A_65 = arith.constant 0 : index
    %get3A_66 = vector.load %arg3[%get3A_64, %get3A_65] : memref<512x512xf32, #tpu.memory_space<vmem>>, vector<512x512xf32>
    %dot_general3A_67 = arith.constant dense<0.000000e+00> : vector<392x512xf32>
    %dot_general3A_68 = tpu.matmul %mul3A_63, %get3A_66, %dot_general3A_67 {dimension_numbers = #tpu.dot_dimension_numbers<[1], [1], [0], [0], [0, 0, 1, 0], [], []>, precision = #tpu.contract_precision<fp32>, transpose_lhs_hint = false} : vector<392x512xf32>, vector<512x512xf32>, vector<392x512xf32> -> vector<392x512xf32>
    %get3A_69 = arith.constant 0 : index
    %get3A_70 = arith.constant 0 : index
    %get3A_71 = vector.load %arg4[%get3A_69, %get3A_70] : memref<1x512xf32, #tpu.memory_space<vmem>>, vector<1x512xf32>
    %add3A_72 = vector.broadcast %get3A_71 : vector<1x512xf32> to vector<392x512xf32>
    %add3A_73 = arith.addf %dot_general3A_68, %add3A_72 : vector<392x512xf32>
    %reduce_sum3A_74 = arith.constant dense<0.000000e+00> : vector<392xf32>
    %reduce_sum3A_75 = vector.multi_reduction <add>, %add3A_73, %reduce_sum3A_74 [1] : vector<392x512xf32> to vector<392xf32>
    %broadcast_in_dim3A_76 = vector.shape_cast %reduce_sum3A_75 : vector<392xf32> to vector<392x1xf32>
    %div3A_77 = arith.constant 5.120000e+02 : f32
    %div3A_78 = vector.broadcast %div3A_77 : f32 to vector<392x1xf32>
    %div3A_79 = arith.divf %broadcast_in_dim3A_76, %div3A_78 : vector<392x1xf32>
    %sub3A_80 = vector.broadcast %div3A_79 : vector<392x1xf32> to vector<392x512xf32>
    %sub3A_81 = arith.subf %add3A_73, %sub3A_80 : vector<392x512xf32>
    %mul3A_82 = arith.mulf %sub3A_81, %sub3A_81 : vector<392x512xf32>
    %reduce_sum3A_83 = arith.constant dense<0.000000e+00> : vector<392xf32>
    %reduce_sum3A_84 = vector.multi_reduction <add>, %mul3A_82, %reduce_sum3A_83 [1] : vector<392x512xf32> to vector<392xf32>
    %broadcast_in_dim3A_85 = vector.shape_cast %reduce_sum3A_84 : vector<392xf32> to vector<392x1xf32>
    %div3A_86 = arith.constant 5.120000e+02 : f32
    %div3A_87 = vector.broadcast %div3A_86 : f32 to vector<392x1xf32>
    %div3A_88 = arith.divf %broadcast_in_dim3A_85, %div3A_87 : vector<392x1xf32>
    %add3A_89 = arith.constant 9.99999974E-6 : f32
    %add3A_90 = vector.broadcast %add3A_89 : f32 to vector<392x1xf32>
    %add3A_91 = arith.addf %div3A_88, %add3A_90 : vector<392x1xf32>
    %rsqrt3A_92 = math.rsqrt %add3A_91 : vector<392x1xf32>
    %mul3A_93 = vector.broadcast %rsqrt3A_92 : vector<392x1xf32> to vector<392x512xf32>
    %mul3A_94 = arith.mulf %sub3A_81, %mul3A_93 : vector<392x512xf32>
    %get3A_95 = arith.constant 0 : index
    %get3A_96 = arith.constant 0 : index
    %get3A_97 = vector.load %arg5[%get3A_95, %get3A_96] : memref<1x512xf32, #tpu.memory_space<vmem>>, vector<1x512xf32>
    %mul3A_98 = vector.broadcast %get3A_97 : vector<1x512xf32> to vector<392x512xf32>
    %mul3A_99 = arith.mulf %mul3A_94, %mul3A_98 : vector<392x512xf32>
    %get3A_100 = arith.constant 0 : index
    %get3A_101 = arith.constant 0 : index
    %get3A_102 = vector.load %arg6[%get3A_100, %get3A_101] : memref<1x512xf32, #tpu.memory_space<vmem>>, vector<1x512xf32>
    %add3A_103 = vector.broadcast %get3A_102 : vector<1x512xf32> to vector<392x512xf32>
    %add3A_104 = arith.addf %mul3A_99, %add3A_103 : vector<392x512xf32>
    %mul3A_105 = arith.constant 5.000000e-01 : f32
    %mul3A_106 = vector.broadcast %mul3A_105 : f32 to vector<392x512xf32>
    %mul3A_107 = arith.mulf %mul3A_106, %add3A_104 : vector<392x512xf32>
    %mul3A_108 = arith.constant 0.707106769 : f32
    %mul3A_109 = vector.broadcast %mul3A_108 : f32 to vector<392x512xf32>
    %mul3A_110 = arith.mulf %add3A_104, %mul3A_109 : vector<392x512xf32>
    %erf3A_111 = math.erf %mul3A_110 : vector<392x512xf32>
    %add3A_112 = arith.constant 1.000000e+00 : f32
    %add3A_113 = vector.broadcast %add3A_112 : f32 to vector<392x512xf32>
    %add3A_114 = arith.addf %add3A_113, %erf3A_111 : vector<392x512xf32>
    %mul3A_115 = arith.mulf %mul3A_107, %add3A_114 : vector<392x512xf32>
    %add3A_116 = arith.addf %add3A_59, %mul3A_115 : vector<392x512xf32>
    %slice3A_117 = vector.extract_strided_slice %get3A_1 {offsets = [2, 0], sizes = [1, 512], strides = [1, 1]} : vector<8x512xf32> to vector<1x512xf32>
    %sub3A_118 = arith.subf %slice3A_117, %div3A_4 : vector<1x512xf32>
    %mul3A_119 = vector.broadcast %sub3A_118 : vector<1x512xf32> to vector<392x512xf32>
    %mul3A_120 = arith.mulf %get3A_7, %mul3A_119 : vector<392x512xf32>
    %get3A_121 = arith.constant 0 : index
    %get3A_122 = arith.constant 0 : index
    %get3A_123 = vector.load %arg3[%get3A_121, %get3A_122] : memref<512x512xf32, #tpu.memory_space<vmem>>, vector<512x512xf32>
    %dot_general3A_124 = arith.constant dense<0.000000e+00> : vector<392x512xf32>
    %dot_general3A_125 = tpu.matmul %mul3A_120, %get3A_123, %dot_general3A_124 {dimension_numbers = #tpu.dot_dimension_numbers<[1], [1], [0], [0], [0, 0, 1, 0], [], []>, precision = #tpu.contract_precision<fp32>, transpose_lhs_hint = false} : vector<392x512xf32>, vector<512x512xf32>, vector<392x512xf32> -> vector<392x512xf32>
    %get3A_126 = arith.constant 0 : index
    %get3A_127 = arith.constant 0 : index
    %get3A_128 = vector.load %arg4[%get3A_126, %get3A_127] : memref<1x512xf32, #tpu.memory_space<vmem>>, vector<1x512xf32>
    %add3A_129 = vector.broadcast %get3A_128 : vector<1x512xf32> to vector<392x512xf32>
    %add3A_130 = arith.addf %dot_general3A_125, %add3A_129 : vector<392x512xf32>
    %reduce_sum3A_131 = arith.constant dense<0.000000e+00> : vector<392xf32>
    %reduce_sum3A_132 = vector.multi_reduction <add>, %add3A_130, %reduce_sum3A_131 [1] : vector<392x512xf32> to vector<392xf32>
    %broadcast_in_dim3A_133 = vector.shape_cast %reduce_sum3A_132 : vector<392xf32> to vector<392x1xf32>
    %div3A_134 = arith.constant 5.120000e+02 : f32
    %div3A_135 = vector.broadcast %div3A_134 : f32 to vector<392x1xf32>
    %div3A_136 = arith.divf %broadcast_in_dim3A_133, %div3A_135 : vector<392x1xf32>
    %sub3A_137 = vector.broadcast %div3A_136 : vector<392x1xf32> to vector<392x512xf32>
    %sub3A_138 = arith.subf %add3A_130, %sub3A_137 : vector<392x512xf32>
    %mul3A_139 = arith.mulf %sub3A_138, %sub3A_138 : vector<392x512xf32>
    %reduce_sum3A_140 = arith.constant dense<0.000000e+00> : vector<392xf32>
    %reduce_sum3A_141 = vector.multi_reduction <add>, %mul3A_139, %reduce_sum3A_140 [1] : vector<392x512xf32> to vector<392xf32>
    %broadcast_in_dim3A_142 = vector.shape_cast %reduce_sum3A_141 : vector<392xf32> to vector<392x1xf32>
    %div3A_143 = arith.constant 5.120000e+02 : f32
    %div3A_144 = vector.broadcast %div3A_143 : f32 to vector<392x1xf32>
    %div3A_145 = arith.divf %broadcast_in_dim3A_142, %div3A_144 : vector<392x1xf32>
    %add3A_146 = arith.constant 9.99999974E-6 : f32
    %add3A_147 = vector.broadcast %add3A_146 : f32 to vector<392x1xf32>
    %add3A_148 = arith.addf %div3A_145, %add3A_147 : vector<392x1xf32>
    %rsqrt3A_149 = math.rsqrt %add3A_148 : vector<392x1xf32>
    %mul3A_150 = vector.broadcast %rsqrt3A_149 : vector<392x1xf32> to vector<392x512xf32>
    %mul3A_151 = arith.mulf %sub3A_138, %mul3A_150 : vector<392x512xf32>
    %get3A_152 = arith.constant 0 : index
    %get3A_153 = arith.constant 0 : index
    %get3A_154 = vector.load %arg5[%get3A_152, %get3A_153] : memref<1x512xf32, #tpu.memory_space<vmem>>, vector<1x512xf32>
    %mul3A_155 = vector.broadcast %get3A_154 : vector<1x512xf32> to vector<392x512xf32>
    %mul3A_156 = arith.mulf %mul3A_151, %mul3A_155 : vector<392x512xf32>
    %get3A_157 = arith.constant 0 : index
    %get3A_158 = arith.constant 0 : index
    %get3A_159 = vector.load %arg6[%get3A_157, %get3A_158] : memref<1x512xf32, #tpu.memory_space<vmem>>, vector<1x512xf32>
    %add3A_160 = vector.broadcast %get3A_159 : vector<1x512xf32> to vector<392x512xf32>
    %add3A_161 = arith.addf %mul3A_156, %add3A_160 : vector<392x512xf32>
    %mul3A_162 = arith.constant 5.000000e-01 : f32
    %mul3A_163 = vector.broadcast %mul3A_162 : f32 to vector<392x512xf32>
    %mul3A_164 = arith.mulf %mul3A_163, %add3A_161 : vector<392x512xf32>
    %mul3A_165 = arith.constant 0.707106769 : f32
    %mul3A_166 = vector.broadcast %mul3A_165 : f32 to vector<392x512xf32>
    %mul3A_167 = arith.mulf %add3A_161, %mul3A_166 : vector<392x512xf32>
    %erf3A_168 = math.erf %mul3A_167 : vector<392x512xf32>
    %add3A_169 = arith.constant 1.000000e+00 : f32
    %add3A_170 = vector.broadcast %add3A_169 : f32 to vector<392x512xf32>
    %add3A_171 = arith.addf %add3A_170, %erf3A_168 : vector<392x512xf32>
    %mul3A_172 = arith.mulf %mul3A_164, %add3A_171 : vector<392x512xf32>
    %add3A_173 = arith.addf %add3A_116, %mul3A_172 : vector<392x512xf32>
    %slice3A_174 = vector.extract_strided_slice %get3A_1 {offsets = [3, 0], sizes = [1, 512], strides = [1, 1]} : vector<8x512xf32> to vector<1x512xf32>
    %sub3A_175 = arith.subf %slice3A_174, %div3A_4 : vector<1x512xf32>
    %mul3A_176 = vector.broadcast %sub3A_175 : vector<1x512xf32> to vector<392x512xf32>
    %mul3A_177 = arith.mulf %get3A_7, %mul3A_176 : vector<392x512xf32>
    %get3A_178 = arith.constant 0 : index
    %get3A_179 = arith.constant 0 : index
    %get3A_180 = vector.load %arg3[%get3A_178, %get3A_179] : memref<512x512xf32, #tpu.memory_space<vmem>>, vector<512x512xf32>
    %dot_general3A_181 = arith.constant dense<0.000000e+00> : vector<392x512xf32>
    %dot_general3A_182 = tpu.matmul %mul3A_177, %get3A_180, %dot_general3A_181 {dimension_numbers = #tpu.dot_dimension_numbers<[1], [1], [0], [0], [0, 0, 1, 0], [], []>, precision = #tpu.contract_precision<fp32>, transpose_lhs_hint = false} : vector<392x512xf32>, vector<512x512xf32>, vector<392x512xf32> -> vector<392x512xf32>
    %get3A_183 = arith.constant 0 : index
    %get3A_184 = arith.constant 0 : index
    %get3A_185 = vector.load %arg4[%get3A_183, %get3A_184] : memref<1x512xf32, #tpu.memory_space<vmem>>, vector<1x512xf32>
    %add3A_186 = vector.broadcast %get3A_185 : vector<1x512xf32> to vector<392x512xf32>
    %add3A_187 = arith.addf %dot_general3A_182, %add3A_186 : vector<392x512xf32>
    %reduce_sum3A_188 = arith.constant dense<0.000000e+00> : vector<392xf32>
    %reduce_sum3A_189 = vector.multi_reduction <add>, %add3A_187, %reduce_sum3A_188 [1] : vector<392x512xf32> to vector<392xf32>
    %broadcast_in_dim3A_190 = vector.shape_cast %reduce_sum3A_189 : vector<392xf32> to vector<392x1xf32>
    %div3A_191 = arith.constant 5.120000e+02 : f32
    %div3A_192 = vector.broadcast %div3A_191 : f32 to vector<392x1xf32>
    %div3A_193 = arith.divf %broadcast_in_dim3A_190, %div3A_192 : vector<392x1xf32>
    %sub3A_194 = vector.broadcast %div3A_193 : vector<392x1xf32> to vector<392x512xf32>
    %sub3A_195 = arith.subf %add3A_187, %sub3A_194 : vector<392x512xf32>
    %mul3A_196 = arith.mulf %sub3A_195, %sub3A_195 : vector<392x512xf32>
    %reduce_sum3A_197 = arith.constant dense<0.000000e+00> : vector<392xf32>
    %reduce_sum3A_198 = vector.multi_reduction <add>, %mul3A_196, %reduce_sum3A_197 [1] : vector<392x512xf32> to vector<392xf32>
    %broadcast_in_dim3A_199 = vector.shape_cast %reduce_sum3A_198 : vector<392xf32> to vector<392x1xf32>
    %div3A_200 = arith.constant 5.120000e+02 : f32
    %div3A_201 = vector.broadcast %div3A_200 : f32 to vector<392x1xf32>
    %div3A_202 = arith.divf %broadcast_in_dim3A_199, %div3A_201 : vector<392x1xf32>
    %add3A_203 = arith.constant 9.99999974E-6 : f32
    %add3A_204 = vector.broadcast %add3A_203 : f32 to vector<392x1xf32>
    %add3A_205 = arith.addf %div3A_202, %add3A_204 : vector<392x1xf32>
    %rsqrt3A_206 = math.rsqrt %add3A_205 : vector<392x1xf32>
    %mul3A_207 = vector.broadcast %rsqrt3A_206 : vector<392x1xf32> to vector<392x512xf32>
    %mul3A_208 = arith.mulf %sub3A_195, %mul3A_207 : vector<392x512xf32>
    %get3A_209 = arith.constant 0 : index
    %get3A_210 = arith.constant 0 : index
    %get3A_211 = vector.load %arg5[%get3A_209, %get3A_210] : memref<1x512xf32, #tpu.memory_space<vmem>>, vector<1x512xf32>
    %mul3A_212 = vector.broadcast %get3A_211 : vector<1x512xf32> to vector<392x512xf32>
    %mul3A_213 = arith.mulf %mul3A_208, %mul3A_212 : vector<392x512xf32>
    %get3A_214 = arith.constant 0 : index
    %get3A_215 = arith.constant 0 : index
    %get3A_216 = vector.load %arg6[%get3A_214, %get3A_215] : memref<1x512xf32, #tpu.memory_space<vmem>>, vector<1x512xf32>
    %add3A_217 = vector.broadcast %get3A_216 : vector<1x512xf32> to vector<392x512xf32>
    %add3A_218 = arith.addf %mul3A_213, %add3A_217 : vector<392x512xf32>
    %mul3A_219 = arith.constant 5.000000e-01 : f32
    %mul3A_220 = vector.broadcast %mul3A_219 : f32 to vector<392x512xf32>
    %mul3A_221 = arith.mulf %mul3A_220, %add3A_218 : vector<392x512xf32>
    %mul3A_222 = arith.constant 0.707106769 : f32
    %mul3A_223 = vector.broadcast %mul3A_222 : f32 to vector<392x512xf32>
    %mul3A_224 = arith.mulf %add3A_218, %mul3A_223 : vector<392x512xf32>
    %erf3A_225 = math.erf %mul3A_224 : vector<392x512xf32>
    %add3A_226 = arith.constant 1.000000e+00 : f32
    %add3A_227 = vector.broadcast %add3A_226 : f32 to vector<392x512xf32>
    %add3A_228 = arith.addf %add3A_227, %erf3A_225 : vector<392x512xf32>
    %mul3A_229 = arith.mulf %mul3A_221, %add3A_228 : vector<392x512xf32>
    %add3A_230 = arith.addf %add3A_173, %mul3A_229 : vector<392x512xf32>
    %slice3A_231 = vector.extract_strided_slice %get3A_1 {offsets = [4, 0], sizes = [1, 512], strides = [1, 1]} : vector<8x512xf32> to vector<1x512xf32>
    %sub3A_232 = arith.subf %slice3A_231, %div3A_4 : vector<1x512xf32>
    %mul3A_233 = vector.broadcast %sub3A_232 : vector<1x512xf32> to vector<392x512xf32>
    %mul3A_234 = arith.mulf %get3A_7, %mul3A_233 : vector<392x512xf32>
    %get3A_235 = arith.constant 0 : index
    %get3A_236 = arith.constant 0 : index
    %get3A_237 = vector.load %arg3[%get3A_235, %get3A_236] : memref<512x512xf32, #tpu.memory_space<vmem>>, vector<512x512xf32>
    %dot_general3A_238 = arith.constant dense<0.000000e+00> : vector<392x512xf32>
    %dot_general3A_239 = tpu.matmul %mul3A_234, %get3A_237, %dot_general3A_238 {dimension_numbers = #tpu.dot_dimension_numbers<[1], [1], [0], [0], [0, 0, 1, 0], [], []>, precision = #tpu.contract_precision<fp32>, transpose_lhs_hint = false} : vector<392x512xf32>, vector<512x512xf32>, vector<392x512xf32> -> vector<392x512xf32>
    %get3A_240 = arith.constant 0 : index
    %get3A_241 = arith.constant 0 : index
    %get3A_242 = vector.load %arg4[%get3A_240, %get3A_241] : memref<1x512xf32, #tpu.memory_space<vmem>>, vector<1x512xf32>
    %add3A_243 = vector.broadcast %get3A_242 : vector<1x512xf32> to vector<392x512xf32>
    %add3A_244 = arith.addf %dot_general3A_239, %add3A_243 : vector<392x512xf32>
    %reduce_sum3A_245 = arith.constant dense<0.000000e+00> : vector<392xf32>
    %reduce_sum3A_246 = vector.multi_reduction <add>, %add3A_244, %reduce_sum3A_245 [1] : vector<392x512xf32> to vector<392xf32>
    %broadcast_in_dim3A_247 = vector.shape_cast %reduce_sum3A_246 : vector<392xf32> to vector<392x1xf32>
    %div3A_248 = arith.constant 5.120000e+02 : f32
    %div3A_249 = vector.broadcast %div3A_248 : f32 to vector<392x1xf32>
    %div3A_250 = arith.divf %broadcast_in_dim3A_247, %div3A_249 : vector<392x1xf32>
    %sub3A_251 = vector.broadcast %div3A_250 : vector<392x1xf32> to vector<392x512xf32>
    %sub3A_252 = arith.subf %add3A_244, %sub3A_251 : vector<392x512xf32>
    %mul3A_253 = arith.mulf %sub3A_252, %sub3A_252 : vector<392x512xf32>
    %reduce_sum3A_254 = arith.constant dense<0.000000e+00> : vector<392xf32>
    %reduce_sum3A_255 = vector.multi_reduction <add>, %mul3A_253, %reduce_sum3A_254 [1] : vector<392x512xf32> to vector<392xf32>
    %broadcast_in_dim3A_256 = vector.shape_cast %reduce_sum3A_255 : vector<392xf32> to vector<392x1xf32>
    %div3A_257 = arith.constant 5.120000e+02 : f32
    %div3A_258 = vector.broadcast %div3A_257 : f32 to vector<392x1xf32>
    %div3A_259 = arith.divf %broadcast_in_dim3A_256, %div3A_258 : vector<392x1xf32>
    %add3A_260 = arith.constant 9.99999974E-6 : f32
    %add3A_261 = vector.broadcast %add3A_260 : f32 to vector<392x1xf32>
    %add3A_262 = arith.addf %div3A_259, %add3A_261 : vector<392x1xf32>
    %rsqrt3A_263 = math.rsqrt %add3A_262 : vector<392x1xf32>
    %mul3A_264 = vector.broadcast %rsqrt3A_263 : vector<392x1xf32> to vector<392x512xf32>
    %mul3A_265 = arith.mulf %sub3A_252, %mul3A_264 : vector<392x512xf32>
    %get3A_266 = arith.constant 0 : index
    %get3A_267 = arith.constant 0 : index
    %get3A_268 = vector.load %arg5[%get3A_266, %get3A_267] : memref<1x512xf32, #tpu.memory_space<vmem>>, vector<1x512xf32>
    %mul3A_269 = vector.broadcast %get3A_268 : vector<1x512xf32> to vector<392x512xf32>
    %mul3A_270 = arith.mulf %mul3A_265, %mul3A_269 : vector<392x512xf32>
    %get3A_271 = arith.constant 0 : index
    %get3A_272 = arith.constant 0 : index
    %get3A_273 = vector.load %arg6[%get3A_271, %get3A_272] : memref<1x512xf32, #tpu.memory_space<vmem>>, vector<1x512xf32>
    %add3A_274 = vector.broadcast %get3A_273 : vector<1x512xf32> to vector<392x512xf32>
    %add3A_275 = arith.addf %mul3A_270, %add3A_274 : vector<392x512xf32>
    %mul3A_276 = arith.constant 5.000000e-01 : f32
    %mul3A_277 = vector.broadcast %mul3A_276 : f32 to vector<392x512xf32>
    %mul3A_278 = arith.mulf %mul3A_277, %add3A_275 : vector<392x512xf32>
    %mul3A_279 = arith.constant 0.707106769 : f32
    %mul3A_280 = vector.broadcast %mul3A_279 : f32 to vector<392x512xf32>
    %mul3A_281 = arith.mulf %add3A_275, %mul3A_280 : vector<392x512xf32>
    %erf3A_282 = math.erf %mul3A_281 : vector<392x512xf32>
    %add3A_283 = arith.constant 1.000000e+00 : f32
    %add3A_284 = vector.broadcast %add3A_283 : f32 to vector<392x512xf32>
    %add3A_285 = arith.addf %add3A_284, %erf3A_282 : vector<392x512xf32>
    %mul3A_286 = arith.mulf %mul3A_278, %add3A_285 : vector<392x512xf32>
    %add3A_287 = arith.addf %add3A_230, %mul3A_286 : vector<392x512xf32>
    %slice3A_288 = vector.extract_strided_slice %get3A_1 {offsets = [5, 0], sizes = [1, 512], strides = [1, 1]} : vector<8x512xf32> to vector<1x512xf32>
    %sub3A_289 = arith.subf %slice3A_288, %div3A_4 : vector<1x512xf32>
    %mul3A_290 = vector.broadcast %sub3A_289 : vector<1x512xf32> to vector<392x512xf32>
    %mul3A_291 = arith.mulf %get3A_7, %mul3A_290 : vector<392x512xf32>
    %get3A_292 = arith.constant 0 : index
    %get3A_293 = arith.constant 0 : index
    %get3A_294 = vector.load %arg3[%get3A_292, %get3A_293] : memref<512x512xf32, #tpu.memory_space<vmem>>, vector<512x512xf32>
    %dot_general3A_295 = arith.constant dense<0.000000e+00> : vector<392x512xf32>
    %dot_general3A_296 = tpu.matmul %mul3A_291, %get3A_294, %dot_general3A_295 {dimension_numbers = #tpu.dot_dimension_numbers<[1], [1], [0], [0], [0, 0, 1, 0], [], []>, precision = #tpu.contract_precision<fp32>, transpose_lhs_hint = false} : vector<392x512xf32>, vector<512x512xf32>, vector<392x512xf32> -> vector<392x512xf32>
    %get3A_297 = arith.constant 0 : index
    %get3A_298 = arith.constant 0 : index
    %get3A_299 = vector.load %arg4[%get3A_297, %get3A_298] : memref<1x512xf32, #tpu.memory_space<vmem>>, vector<1x512xf32>
    %add3A_300 = vector.broadcast %get3A_299 : vector<1x512xf32> to vector<392x512xf32>
    %add3A_301 = arith.addf %dot_general3A_296, %add3A_300 : vector<392x512xf32>
    %reduce_sum3A_302 = arith.constant dense<0.000000e+00> : vector<392xf32>
    %reduce_sum3A_303 = vector.multi_reduction <add>, %add3A_301, %reduce_sum3A_302 [1] : vector<392x512xf32> to vector<392xf32>
    %broadcast_in_dim3A_304 = vector.shape_cast %reduce_sum3A_303 : vector<392xf32> to vector<392x1xf32>
    %div3A_305 = arith.constant 5.120000e+02 : f32
    %div3A_306 = vector.broadcast %div3A_305 : f32 to vector<392x1xf32>
    %div3A_307 = arith.divf %broadcast_in_dim3A_304, %div3A_306 : vector<392x1xf32>
    %sub3A_308 = vector.broadcast %div3A_307 : vector<392x1xf32> to vector<392x512xf32>
    %sub3A_309 = arith.subf %add3A_301, %sub3A_308 : vector<392x512xf32>
    %mul3A_310 = arith.mulf %sub3A_309, %sub3A_309 : vector<392x512xf32>
    %reduce_sum3A_311 = arith.constant dense<0.000000e+00> : vector<392xf32>
    %reduce_sum3A_312 = vector.multi_reduction <add>, %mul3A_310, %reduce_sum3A_311 [1] : vector<392x512xf32> to vector<392xf32>
    %broadcast_in_dim3A_313 = vector.shape_cast %reduce_sum3A_312 : vector<392xf32> to vector<392x1xf32>
    %div3A_314 = arith.constant 5.120000e+02 : f32
    %div3A_315 = vector.broadcast %div3A_314 : f32 to vector<392x1xf32>
    %div3A_316 = arith.divf %broadcast_in_dim3A_313, %div3A_315 : vector<392x1xf32>
    %add3A_317 = arith.constant 9.99999974E-6 : f32
    %add3A_318 = vector.broadcast %add3A_317 : f32 to vector<392x1xf32>
    %add3A_319 = arith.addf %div3A_316, %add3A_318 : vector<392x1xf32>
    %rsqrt3A_320 = math.rsqrt %add3A_319 : vector<392x1xf32>
    %mul3A_321 = vector.broadcast %rsqrt3A_320 : vector<392x1xf32> to vector<392x512xf32>
    %mul3A_322 = arith.mulf %sub3A_309, %mul3A_321 : vector<392x512xf32>
    %get3A_323 = arith.constant 0 : index
    %get3A_324 = arith.constant 0 : index
    %get3A_325 = vector.load %arg5[%get3A_323, %get3A_324] : memref<1x512xf32, #tpu.memory_space<vmem>>, vector<1x512xf32>
    %mul3A_326 = vector.broadcast %get3A_325 : vector<1x512xf32> to vector<392x512xf32>
    %mul3A_327 = arith.mulf %mul3A_322, %mul3A_326 : vector<392x512xf32>
    %get3A_328 = arith.constant 0 : index
    %get3A_329 = arith.constant 0 : index
    %get3A_330 = vector.load %arg6[%get3A_328, %get3A_329] : memref<1x512xf32, #tpu.memory_space<vmem>>, vector<1x512xf32>
    %add3A_331 = vector.broadcast %get3A_330 : vector<1x512xf32> to vector<392x512xf32>
    %add3A_332 = arith.addf %mul3A_327, %add3A_331 : vector<392x512xf32>
    %mul3A_333 = arith.constant 5.000000e-01 : f32
    %mul3A_334 = vector.broadcast %mul3A_333 : f32 to vector<392x512xf32>
    %mul3A_335 = arith.mulf %mul3A_334, %add3A_332 : vector<392x512xf32>
    %mul3A_336 = arith.constant 0.707106769 : f32
    %mul3A_337 = vector.broadcast %mul3A_336 : f32 to vector<392x512xf32>
    %mul3A_338 = arith.mulf %add3A_332, %mul3A_337 : vector<392x512xf32>
    %erf3A_339 = math.erf %mul3A_338 : vector<392x512xf32>
    %add3A_340 = arith.constant 1.000000e+00 : f32
    %add3A_341 = vector.broadcast %add3A_340 : f32 to vector<392x512xf32>
    %add3A_342 = arith.addf %add3A_341, %erf3A_339 : vector<392x512xf32>
    %mul3A_343 = arith.mulf %mul3A_335, %add3A_342 : vector<392x512xf32>
    %add3A_344 = arith.addf %add3A_287, %mul3A_343 : vector<392x512xf32>
    %slice3A_345 = vector.extract_strided_slice %get3A_1 {offsets = [6, 0], sizes = [1, 512], strides = [1, 1]} : vector<8x512xf32> to vector<1x512xf32>
    %sub3A_346 = arith.subf %slice3A_345, %div3A_4 : vector<1x512xf32>
    %mul3A_347 = vector.broadcast %sub3A_346 : vector<1x512xf32> to vector<392x512xf32>
    %mul3A_348 = arith.mulf %get3A_7, %mul3A_347 : vector<392x512xf32>
    %get3A_349 = arith.constant 0 : index
    %get3A_350 = arith.constant 0 : index
    %get3A_351 = vector.load %arg3[%get3A_349, %get3A_350] : memref<512x512xf32, #tpu.memory_space<vmem>>, vector<512x512xf32>
    %dot_general3A_352 = arith.constant dense<0.000000e+00> : vector<392x512xf32>
    %dot_general3A_353 = tpu.matmul %mul3A_348, %get3A_351, %dot_general3A_352 {dimension_numbers = #tpu.dot_dimension_numbers<[1], [1], [0], [0], [0, 0, 1, 0], [], []>, precision = #tpu.contract_precision<fp32>, transpose_lhs_hint = false} : vector<392x512xf32>, vector<512x512xf32>, vector<392x512xf32> -> vector<392x512xf32>
    %get3A_354 = arith.constant 0 : index
    %get3A_355 = arith.constant 0 : index
    %get3A_356 = vector.load %arg4[%get3A_354, %get3A_355] : memref<1x512xf32, #tpu.memory_space<vmem>>, vector<1x512xf32>
    %add3A_357 = vector.broadcast %get3A_356 : vector<1x512xf32> to vector<392x512xf32>
    %add3A_358 = arith.addf %dot_general3A_353, %add3A_357 : vector<392x512xf32>
    %reduce_sum3A_359 = arith.constant dense<0.000000e+00> : vector<392xf32>
    %reduce_sum3A_360 = vector.multi_reduction <add>, %add3A_358, %reduce_sum3A_359 [1] : vector<392x512xf32> to vector<392xf32>
    %broadcast_in_dim3A_361 = vector.shape_cast %reduce_sum3A_360 : vector<392xf32> to vector<392x1xf32>
    %div3A_362 = arith.constant 5.120000e+02 : f32
    %div3A_363 = vector.broadcast %div3A_362 : f32 to vector<392x1xf32>
    %div3A_364 = arith.divf %broadcast_in_dim3A_361, %div3A_363 : vector<392x1xf32>
    %sub3A_365 = vector.broadcast %div3A_364 : vector<392x1xf32> to vector<392x512xf32>
    %sub3A_366 = arith.subf %add3A_358, %sub3A_365 : vector<392x512xf32>
    %mul3A_367 = arith.mulf %sub3A_366, %sub3A_366 : vector<392x512xf32>
    %reduce_sum3A_368 = arith.constant dense<0.000000e+00> : vector<392xf32>
    %reduce_sum3A_369 = vector.multi_reduction <add>, %mul3A_367, %reduce_sum3A_368 [1] : vector<392x512xf32> to vector<392xf32>
    %broadcast_in_dim3A_370 = vector.shape_cast %reduce_sum3A_369 : vector<392xf32> to vector<392x1xf32>
    %div3A_371 = arith.constant 5.120000e+02 : f32
    %div3A_372 = vector.broadcast %div3A_371 : f32 to vector<392x1xf32>
    %div3A_373 = arith.divf %broadcast_in_dim3A_370, %div3A_372 : vector<392x1xf32>
    %add3A_374 = arith.constant 9.99999974E-6 : f32
    %add3A_375 = vector.broadcast %add3A_374 : f32 to vector<392x1xf32>
    %add3A_376 = arith.addf %div3A_373, %add3A_375 : vector<392x1xf32>
    %rsqrt3A_377 = math.rsqrt %add3A_376 : vector<392x1xf32>
    %mul3A_378 = vector.broadcast %rsqrt3A_377 : vector<392x1xf32> to vector<392x512xf32>
    %mul3A_379 = arith.mulf %sub3A_366, %mul3A_378 : vector<392x512xf32>
    %get3A_380 = arith.constant 0 : index
    %get3A_381 = arith.constant 0 : index
    %get3A_382 = vector.load %arg5[%get3A_380, %get3A_381] : memref<1x512xf32, #tpu.memory_space<vmem>>, vector<1x512xf32>
    %mul3A_383 = vector.broadcast %get3A_382 : vector<1x512xf32> to vector<392x512xf32>
    %mul3A_384 = arith.mulf %mul3A_379, %mul3A_383 : vector<392x512xf32>
    %get3A_385 = arith.constant 0 : index
    %get3A_386 = arith.constant 0 : index
    %get3A_387 = vector.load %arg6[%get3A_385, %get3A_386] : memref<1x512xf32, #tpu.memory_space<vmem>>, vector<1x512xf32>
    %add3A_388 = vector.broadcast %get3A_387 : vector<1x512xf32> to vector<392x512xf32>
    %add3A_389 = arith.addf %mul3A_384, %add3A_388 : vector<392x512xf32>
    %mul3A_390 = arith.constant 5.000000e-01 : f32
    %mul3A_391 = vector.broadcast %mul3A_390 : f32 to vector<392x512xf32>
    %mul3A_392 = arith.mulf %mul3A_391, %add3A_389 : vector<392x512xf32>
    %mul3A_393 = arith.constant 0.707106769 : f32
    %mul3A_394 = vector.broadcast %mul3A_393 : f32 to vector<392x512xf32>
    %mul3A_395 = arith.mulf %add3A_389, %mul3A_394 : vector<392x512xf32>
    %erf3A_396 = math.erf %mul3A_395 : vector<392x512xf32>
    %add3A_397 = arith.constant 1.000000e+00 : f32
    %add3A_398 = vector.broadcast %add3A_397 : f32 to vector<392x512xf32>
    %add3A_399 = arith.addf %add3A_398, %erf3A_396 : vector<392x512xf32>
    %mul3A_400 = arith.mulf %mul3A_392, %add3A_399 : vector<392x512xf32>
    %add3A_401 = arith.addf %add3A_344, %mul3A_400 : vector<392x512xf32>
    %slice3A_402 = vector.extract_strided_slice %get3A_1 {offsets = [7, 0], sizes = [1, 512], strides = [1, 1]} : vector<8x512xf32> to vector<1x512xf32>
    %sub3A_403 = arith.subf %slice3A_402, %div3A_4 : vector<1x512xf32>
    %mul3A_404 = vector.broadcast %sub3A_403 : vector<1x512xf32> to vector<392x512xf32>
    %mul3A_405 = arith.mulf %get3A_7, %mul3A_404 : vector<392x512xf32>
    %get3A_406 = arith.constant 0 : index
    %get3A_407 = arith.constant 0 : index
    %get3A_408 = vector.load %arg3[%get3A_406, %get3A_407] : memref<512x512xf32, #tpu.memory_space<vmem>>, vector<512x512xf32>
    %dot_general3A_409 = arith.constant dense<0.000000e+00> : vector<392x512xf32>
    %dot_general3A_410 = tpu.matmul %mul3A_405, %get3A_408, %dot_general3A_409 {dimension_numbers = #tpu.dot_dimension_numbers<[1], [1], [0], [0], [0, 0, 1, 0], [], []>, precision = #tpu.contract_precision<fp32>, transpose_lhs_hint = false} : vector<392x512xf32>, vector<512x512xf32>, vector<392x512xf32> -> vector<392x512xf32>
    %get3A_411 = arith.constant 0 : index
    %get3A_412 = arith.constant 0 : index
    %get3A_413 = vector.load %arg4[%get3A_411, %get3A_412] : memref<1x512xf32, #tpu.memory_space<vmem>>, vector<1x512xf32>
    %add3A_414 = vector.broadcast %get3A_413 : vector<1x512xf32> to vector<392x512xf32>
    %add3A_415 = arith.addf %dot_general3A_410, %add3A_414 : vector<392x512xf32>
    %reduce_sum3A_416 = arith.constant dense<0.000000e+00> : vector<392xf32>
    %reduce_sum3A_417 = vector.multi_reduction <add>, %add3A_415, %reduce_sum3A_416 [1] : vector<392x512xf32> to vector<392xf32>
    %broadcast_in_dim3A_418 = vector.shape_cast %reduce_sum3A_417 : vector<392xf32> to vector<392x1xf32>
    %div3A_419 = arith.constant 5.120000e+02 : f32
    %div3A_420 = vector.broadcast %div3A_419 : f32 to vector<392x1xf32>
    %div3A_421 = arith.divf %broadcast_in_dim3A_418, %div3A_420 : vector<392x1xf32>
    %sub3A_422 = vector.broadcast %div3A_421 : vector<392x1xf32> to vector<392x512xf32>
    %sub3A_423 = arith.subf %add3A_415, %sub3A_422 : vector<392x512xf32>
    %mul3A_424 = arith.mulf %sub3A_423, %sub3A_423 : vector<392x512xf32>
    %reduce_sum3A_425 = arith.constant dense<0.000000e+00> : vector<392xf32>
    %reduce_sum3A_426 = vector.multi_reduction <add>, %mul3A_424, %reduce_sum3A_425 [1] : vector<392x512xf32> to vector<392xf32>
    %broadcast_in_dim3A_427 = vector.shape_cast %reduce_sum3A_426 : vector<392xf32> to vector<392x1xf32>
    %div3A_428 = arith.constant 5.120000e+02 : f32
    %div3A_429 = vector.broadcast %div3A_428 : f32 to vector<392x1xf32>
    %div3A_430 = arith.divf %broadcast_in_dim3A_427, %div3A_429 : vector<392x1xf32>
    %add3A_431 = arith.constant 9.99999974E-6 : f32
    %add3A_432 = vector.broadcast %add3A_431 : f32 to vector<392x1xf32>
    %add3A_433 = arith.addf %div3A_430, %add3A_432 : vector<392x1xf32>
    %rsqrt3A_434 = math.rsqrt %add3A_433 : vector<392x1xf32>
    %mul3A_435 = vector.broadcast %rsqrt3A_434 : vector<392x1xf32> to vector<392x512xf32>
    %mul3A_436 = arith.mulf %sub3A_423, %mul3A_435 : vector<392x512xf32>
    %get3A_437 = arith.constant 0 : index
    %get3A_438 = arith.constant 0 : index
    %get3A_439 = vector.load %arg5[%get3A_437, %get3A_438] : memref<1x512xf32, #tpu.memory_space<vmem>>, vector<1x512xf32>
    %mul3A_440 = vector.broadcast %get3A_439 : vector<1x512xf32> to vector<392x512xf32>
    %mul3A_441 = arith.mulf %mul3A_436, %mul3A_440 : vector<392x512xf32>
    %get3A_442 = arith.constant 0 : index
    %get3A_443 = arith.constant 0 : index
    %get3A_444 = vector.load %arg6[%get3A_442, %get3A_443] : memref<1x512xf32, #tpu.memory_space<vmem>>, vector<1x512xf32>
    %add3A_445 = vector.broadcast %get3A_444 : vector<1x512xf32> to vector<392x512xf32>
    %add3A_446 = arith.addf %mul3A_441, %add3A_445 : vector<392x512xf32>
    %mul3A_447 = arith.constant 5.000000e-01 : f32
    %mul3A_448 = vector.broadcast %mul3A_447 : f32 to vector<392x512xf32>
    %mul3A_449 = arith.mulf %mul3A_448, %add3A_446 : vector<392x512xf32>
    %mul3A_450 = arith.constant 0.707106769 : f32
    %mul3A_451 = vector.broadcast %mul3A_450 : f32 to vector<392x512xf32>
    %mul3A_452 = arith.mulf %add3A_446, %mul3A_451 : vector<392x512xf32>
    %erf3A_453 = math.erf %mul3A_452 : vector<392x512xf32>
    %add3A_454 = arith.constant 1.000000e+00 : f32
    %add3A_455 = vector.broadcast %add3A_454 : f32 to vector<392x512xf32>
    %add3A_456 = arith.addf %add3A_455, %erf3A_453 : vector<392x512xf32>
    %mul3A_457 = arith.mulf %mul3A_449, %add3A_456 : vector<392x512xf32>
    %add3A_458 = arith.addf %add3A_401, %mul3A_457 : vector<392x512xf32>
    %mul3A_459 = arith.constant 1.250000e-01 : f32
    %mul3A_460 = vector.broadcast %mul3A_459 : f32 to vector<392x512xf32>
    %mul3A_461 = arith.mulf %add3A_458, %mul3A_460 : vector<392x512xf32>
    %get3A_462 = arith.constant 0 : index
    %get3A_463 = arith.constant 0 : index
    %get3A_464 = vector.load %arg7[%get3A_462, %get3A_463] : memref<16x512xf32, #tpu.memory_space<vmem>>, vector<16x512xf32>
    %dot_general3A_465 = arith.constant dense<0.000000e+00> : vector<392x16xf32>
    %dot_general3A_466 = tpu.matmul %mul3A_461, %get3A_464, %dot_general3A_465 {dimension_numbers = #tpu.dot_dimension_numbers<[1], [1], [0], [0], [0, 0, 1, 0], [], []>, precision = #tpu.contract_precision<fp32>, transpose_lhs_hint = false} : vector<392x512xf32>, vector<16x512xf32>, vector<392x16xf32> -> vector<392x16xf32>
    %get3A_467 = arith.constant 0 : index
    %get3A_468 = arith.constant 0 : index
    %get3A_469 = vector.load %arg8[%get3A_467, %get3A_468] : memref<1x16xf32, #tpu.memory_space<vmem>>, vector<1x16xf32>
    %add3A_470 = vector.broadcast %get3A_469 : vector<1x16xf32> to vector<392x16xf32>
    %add3A_471 = arith.addf %dot_general3A_466, %add3A_470 : vector<392x16xf32>
    %swap3A = arith.constant 0 : index
    %swap3A_472 = arith.constant 0 : index
    %swap3A_473 = vector.load %arg9[%swap3A, %swap3A_472] : memref<392x16xf32, #tpu.memory_space<vmem>>, vector<392x16xf32>
    tpu.vector_store %arg9[%swap3A, %swap3A_472], %add3A_471 {strides = array<i32>} : memref<392x16xf32, #tpu.memory_space<vmem>>, vector<392x16xf32>,
    return
  }
  func.func @transform_0(%arg0: i32) -> (i32, i32) {
    %c0_i32 = arith.constant 0 : i32
    %c0_i32_0 = arith.constant 0 : i32
    return %arg0, %c0_i32 : i32, i32
  }
  func.func @transform_1(%arg0: i32) -> (i32, i32) {
    %c0_i32 = arith.constant 0 : i32
    %c0_i32_0 = arith.constant 0 : i32
    %c0_i32_1 = arith.constant 0 : i32
    return %c0_i32, %c0_i32_0 : i32, i32
  }
  func.func @transform_2(%arg0: i32) -> (i32, i32) {
    %c0_i32 = arith.constant 0 : i32
    %c0_i32_0 = arith.constant 0 : i32
    %c0_i32_1 = arith.constant 0 : i32
    return %c0_i32, %c0_i32_0 : i32, i32
  }
  func.func @transform_3(%arg0: i32) -> (i32, i32) {
    %c0_i32 = arith.constant 0 : i32
    %c0_i32_0 = arith.constant 0 : i32
    %c0_i32_1 = arith.constant 0 : i32
    return %c0_i32, %c0_i32_0 : i32, i32
  }
  func.func @transform_4(%arg0: i32) -> (i32, i32) {
    %c0_i32 = arith.constant 0 : i32
    %c0_i32_0 = arith.constant 0 : i32
    %c0_i32_1 = arith.constant 0 : i32
    return %c0_i32, %c0_i32_0 : i32, i32
  }
  func.func @transform_5(%arg0: i32) -> (i32, i32) {
    %c0_i32 = arith.constant 0 : i32
    %c0_i32_0 = arith.constant 0 : i32
    %c0_i32_1 = arith.constant 0 : i32
    return %c0_i32, %c0_i32_0 : i32, i32
  }
  func.func @transform_6(%arg0: i32) -> (i32, i32) {
    %c0_i32 = arith.constant 0 : i32
    %c0_i32_0 = arith.constant 0 : i32
    %c0_i32_1 = arith.constant 0 : i32
    return %c0_i32, %c0_i32_0 : i32, i32
  }
  func.func @transform_7(%arg0: i32) -> (i32, i32) {
    %c0_i32 = arith.constant 0 : i32
    %c0_i32_0 = arith.constant 0 : i32
    %c0_i32_1 = arith.constant 0 : i32
    return %c0_i32, %c0_i32_0 : i32, i32
  }
  func.func @transform_8(%arg0: i32) -> (i32, i32) {
    %c0_i32 = arith.constant 0 : i32
    %c0_i32_0 = arith.constant 0 : i32
    return %arg0, %c0_i32 : i32, i32
  }
}

module attributes {stable_mosaic.version = 14 : i64} {
  func.func @_topk_kernel(%arg0: i32, %arg1: memref<1x56x512xf32, #tpu.memory_space<vmem>>, %arg2: memref<512x128xf32, #tpu.memory_space<vmem>>, %arg3: memref<1x56x16xf32, #tpu.memory_space<vmem>>, %arg4: memref<8x128xf32, #tpu.memory_space<vmem>>, %arg5: memref<1x56x512x16xf32, #tpu.memory_space<vmem>>) attributes {dimension_semantics = [#tpu.dimension_semantics<arbitrary>], iteration_bounds = array<i64: 28>, scalar_prefetch = 0 : i64, scratch_operands = 0 : i64, tpu.core_type = #tpu.core_type<tc>, window_params = [{transform_indices = @transform_0, window_bounds = array<i64: 1, 56, 512>}, {pipeline_mode = #tpu.pipeline_mode<synchronous>, transform_indices = @transform_1, window_bounds = array<i64: 512, 128>}, {transform_indices = @transform_2, window_bounds = array<i64: 1, 56, 16>}, {pipeline_mode = #tpu.pipeline_mode<synchronous>, transform_indices = @transform_3, window_bounds = array<i64: 8, 128>}, {transform_indices = @transform_4, window_bounds = array<i64: 1, 56, 512, 16>}]} {
    %get3A = arith.constant 0 : index
    %get3A_0 = arith.constant 0 : index
    %get3A_1 = arith.constant 0 : index
    %get3A_2 = vector.load %arg1[%get3A, %get3A_0, %get3A_1] : memref<1x56x512xf32, #tpu.memory_space<vmem>>, vector<1x8x512xf32>
    %get3A_3 = vector.shape_cast %get3A_2 : vector<1x8x512xf32> to vector<8x512xf32>
    %get3A_4 = arith.constant 0 : index
    %get3A_5 = arith.constant 0 : index
    %get3A_6 = vector.load %arg4[%get3A_4, %get3A_5] : memref<8x128xf32, #tpu.memory_space<vmem>>, vector<8x128xf32>
    %dot_general3A = arith.constant dense<0.000000e+00> : vector<512x128xf32>
    %dot_general3A_7 = tpu.matmul %get3A_3, %get3A_6, %dot_general3A {dimension_numbers = #tpu.dot_dimension_numbers<[0], [0], [1], [1], [0, 1, 1, 1], [], []>, precision = #tpu.contract_precision<fp32>, transpose_lhs_hint = false} : vector<8x512xf32>, vector<8x128xf32>, vector<512x128xf32> -> vector<512x128xf32>
    %get3A_8 = arith.constant 0 : index
    %get3A_9 = arith.constant 0 : index
    %get3A_10 = vector.load %arg2[%get3A_8, %get3A_9] : memref<512x128xf32, #tpu.memory_space<vmem>>, vector<512x128xf32>
    %mul3A = arith.mulf %dot_general3A_7, %get3A_10 : vector<512x128xf32>
    %abs3A = math.absf %mul3A : vector<512x128xf32>
    %bitcast_convert_type3A = tpu.bitcast %abs3A : vector<512x128xf32> -> vector<512x128xi32>
    %get3A_11 = arith.constant 0 : index
    %get3A_12 = arith.constant 8 : index
    %get3A_13 = arith.constant 0 : index
    %get3A_14 = vector.load %arg1[%get3A_11, %get3A_12, %get3A_13] : memref<1x56x512xf32, #tpu.memory_space<vmem>>, vector<1x8x512xf32>
    %get3A_15 = vector.shape_cast %get3A_14 : vector<1x8x512xf32> to vector<8x512xf32>
    %get3A_16 = arith.constant 0 : index
    %get3A_17 = arith.constant 0 : index
    %get3A_18 = vector.load %arg4[%get3A_16, %get3A_17] : memref<8x128xf32, #tpu.memory_space<vmem>>, vector<8x128xf32>
    %dot_general3A_19 = arith.constant dense<0.000000e+00> : vector<512x128xf32>
    %dot_general3A_20 = tpu.matmul %get3A_15, %get3A_18, %dot_general3A_19 {dimension_numbers = #tpu.dot_dimension_numbers<[0], [0], [1], [1], [0, 1, 1, 1], [], []>, precision = #tpu.contract_precision<fp32>, transpose_lhs_hint = false} : vector<8x512xf32>, vector<8x128xf32>, vector<512x128xf32> -> vector<512x128xf32>
    %get3A_21 = arith.constant 0 : index
    %get3A_22 = arith.constant 0 : index
    %get3A_23 = vector.load %arg2[%get3A_21, %get3A_22] : memref<512x128xf32, #tpu.memory_space<vmem>>, vector<512x128xf32>
    %mul3A_24 = arith.mulf %dot_general3A_20, %get3A_23 : vector<512x128xf32>
    %abs3A_25 = math.absf %mul3A_24 : vector<512x128xf32>
    %bitcast_convert_type3A_26 = tpu.bitcast %abs3A_25 : vector<512x128xf32> -> vector<512x128xi32>
    %get3A_27 = arith.constant 0 : index
    %get3A_28 = arith.constant 16 : index
    %get3A_29 = arith.constant 0 : index
    %get3A_30 = vector.load %arg1[%get3A_27, %get3A_28, %get3A_29] : memref<1x56x512xf32, #tpu.memory_space<vmem>>, vector<1x8x512xf32>
    %get3A_31 = vector.shape_cast %get3A_30 : vector<1x8x512xf32> to vector<8x512xf32>
    %get3A_32 = arith.constant 0 : index
    %get3A_33 = arith.constant 0 : index
    %get3A_34 = vector.load %arg4[%get3A_32, %get3A_33] : memref<8x128xf32, #tpu.memory_space<vmem>>, vector<8x128xf32>
    %dot_general3A_35 = arith.constant dense<0.000000e+00> : vector<512x128xf32>
    %dot_general3A_36 = tpu.matmul %get3A_31, %get3A_34, %dot_general3A_35 {dimension_numbers = #tpu.dot_dimension_numbers<[0], [0], [1], [1], [0, 1, 1, 1], [], []>, precision = #tpu.contract_precision<fp32>, transpose_lhs_hint = false} : vector<8x512xf32>, vector<8x128xf32>, vector<512x128xf32> -> vector<512x128xf32>
    %get3A_37 = arith.constant 0 : index
    %get3A_38 = arith.constant 0 : index
    %get3A_39 = vector.load %arg2[%get3A_37, %get3A_38] : memref<512x128xf32, #tpu.memory_space<vmem>>, vector<512x128xf32>
    %mul3A_40 = arith.mulf %dot_general3A_36, %get3A_39 : vector<512x128xf32>
    %abs3A_41 = math.absf %mul3A_40 : vector<512x128xf32>
    %bitcast_convert_type3A_42 = tpu.bitcast %abs3A_41 : vector<512x128xf32> -> vector<512x128xi32>
    %get3A_43 = arith.constant 0 : index
    %get3A_44 = arith.constant 24 : index
    %get3A_45 = arith.constant 0 : index
    %get3A_46 = vector.load %arg1[%get3A_43, %get3A_44, %get3A_45] : memref<1x56x512xf32, #tpu.memory_space<vmem>>, vector<1x8x512xf32>
    %get3A_47 = vector.shape_cast %get3A_46 : vector<1x8x512xf32> to vector<8x512xf32>
    %get3A_48 = arith.constant 0 : index
    %get3A_49 = arith.constant 0 : index
    %get3A_50 = vector.load %arg4[%get3A_48, %get3A_49] : memref<8x128xf32, #tpu.memory_space<vmem>>, vector<8x128xf32>
    %dot_general3A_51 = arith.constant dense<0.000000e+00> : vector<512x128xf32>
    %dot_general3A_52 = tpu.matmul %get3A_47, %get3A_50, %dot_general3A_51 {dimension_numbers = #tpu.dot_dimension_numbers<[0], [0], [1], [1], [0, 1, 1, 1], [], []>, precision = #tpu.contract_precision<fp32>, transpose_lhs_hint = false} : vector<8x512xf32>, vector<8x128xf32>, vector<512x128xf32> -> vector<512x128xf32>
    %get3A_53 = arith.constant 0 : index
    %get3A_54 = arith.constant 0 : index
    %get3A_55 = vector.load %arg2[%get3A_53, %get3A_54] : memref<512x128xf32, #tpu.memory_space<vmem>>, vector<512x128xf32>
    %mul3A_56 = arith.mulf %dot_general3A_52, %get3A_55 : vector<512x128xf32>
    %abs3A_57 = math.absf %mul3A_56 : vector<512x128xf32>
    %bitcast_convert_type3A_58 = tpu.bitcast %abs3A_57 : vector<512x128xf32> -> vector<512x128xi32>
    %get3A_59 = arith.constant 0 : index
    %get3A_60 = arith.constant 32 : index
    %get3A_61 = arith.constant 0 : index
    %get3A_62 = vector.load %arg1[%get3A_59, %get3A_60, %get3A_61] : memref<1x56x512xf32, #tpu.memory_space<vmem>>, vector<1x8x512xf32>
    %get3A_63 = vector.shape_cast %get3A_62 : vector<1x8x512xf32> to vector<8x512xf32>
    %get3A_64 = arith.constant 0 : index
    %get3A_65 = arith.constant 0 : index
    %get3A_66 = vector.load %arg4[%get3A_64, %get3A_65] : memref<8x128xf32, #tpu.memory_space<vmem>>, vector<8x128xf32>
    %dot_general3A_67 = arith.constant dense<0.000000e+00> : vector<512x128xf32>
    %dot_general3A_68 = tpu.matmul %get3A_63, %get3A_66, %dot_general3A_67 {dimension_numbers = #tpu.dot_dimension_numbers<[0], [0], [1], [1], [0, 1, 1, 1], [], []>, precision = #tpu.contract_precision<fp32>, transpose_lhs_hint = false} : vector<8x512xf32>, vector<8x128xf32>, vector<512x128xf32> -> vector<512x128xf32>
    %get3A_69 = arith.constant 0 : index
    %get3A_70 = arith.constant 0 : index
    %get3A_71 = vector.load %arg2[%get3A_69, %get3A_70] : memref<512x128xf32, #tpu.memory_space<vmem>>, vector<512x128xf32>
    %mul3A_72 = arith.mulf %dot_general3A_68, %get3A_71 : vector<512x128xf32>
    %abs3A_73 = math.absf %mul3A_72 : vector<512x128xf32>
    %bitcast_convert_type3A_74 = tpu.bitcast %abs3A_73 : vector<512x128xf32> -> vector<512x128xi32>
    %get3A_75 = arith.constant 0 : index
    %get3A_76 = arith.constant 40 : index
    %get3A_77 = arith.constant 0 : index
    %get3A_78 = vector.load %arg1[%get3A_75, %get3A_76, %get3A_77] : memref<1x56x512xf32, #tpu.memory_space<vmem>>, vector<1x8x512xf32>
    %get3A_79 = vector.shape_cast %get3A_78 : vector<1x8x512xf32> to vector<8x512xf32>
    %get3A_80 = arith.constant 0 : index
    %get3A_81 = arith.constant 0 : index
    %get3A_82 = vector.load %arg4[%get3A_80, %get3A_81] : memref<8x128xf32, #tpu.memory_space<vmem>>, vector<8x128xf32>
    %dot_general3A_83 = arith.constant dense<0.000000e+00> : vector<512x128xf32>
    %dot_general3A_84 = tpu.matmul %get3A_79, %get3A_82, %dot_general3A_83 {dimension_numbers = #tpu.dot_dimension_numbers<[0], [0], [1], [1], [0, 1, 1, 1], [], []>, precision = #tpu.contract_precision<fp32>, transpose_lhs_hint = false} : vector<8x512xf32>, vector<8x128xf32>, vector<512x128xf32> -> vector<512x128xf32>
    %get3A_85 = arith.constant 0 : index
    %get3A_86 = arith.constant 0 : index
    %get3A_87 = vector.load %arg2[%get3A_85, %get3A_86] : memref<512x128xf32, #tpu.memory_space<vmem>>, vector<512x128xf32>
    %mul3A_88 = arith.mulf %dot_general3A_84, %get3A_87 : vector<512x128xf32>
    %abs3A_89 = math.absf %mul3A_88 : vector<512x128xf32>
    %bitcast_convert_type3A_90 = tpu.bitcast %abs3A_89 : vector<512x128xf32> -> vector<512x128xi32>
    %get3A_91 = arith.constant 0 : index
    %get3A_92 = arith.constant 48 : index
    %get3A_93 = arith.constant 0 : index
    %get3A_94 = vector.load %arg1[%get3A_91, %get3A_92, %get3A_93] : memref<1x56x512xf32, #tpu.memory_space<vmem>>, vector<1x8x512xf32>
    %get3A_95 = vector.shape_cast %get3A_94 : vector<1x8x512xf32> to vector<8x512xf32>
    %get3A_96 = arith.constant 0 : index
    %get3A_97 = arith.constant 0 : index
    %get3A_98 = vector.load %arg4[%get3A_96, %get3A_97] : memref<8x128xf32, #tpu.memory_space<vmem>>, vector<8x128xf32>
    %dot_general3A_99 = arith.constant dense<0.000000e+00> : vector<512x128xf32>
    %dot_general3A_100 = tpu.matmul %get3A_95, %get3A_98, %dot_general3A_99 {dimension_numbers = #tpu.dot_dimension_numbers<[0], [0], [1], [1], [0, 1, 1, 1], [], []>, precision = #tpu.contract_precision<fp32>, transpose_lhs_hint = false} : vector<8x512xf32>, vector<8x128xf32>, vector<512x128xf32> -> vector<512x128xf32>
    %get3A_101 = arith.constant 0 : index
    %get3A_102 = arith.constant 0 : index
    %get3A_103 = vector.load %arg2[%get3A_101, %get3A_102] : memref<512x128xf32, #tpu.memory_space<vmem>>, vector<512x128xf32>
    %mul3A_104 = arith.mulf %dot_general3A_100, %get3A_103 : vector<512x128xf32>
    %abs3A_105 = math.absf %mul3A_104 : vector<512x128xf32>
    %bitcast_convert_type3A_106 = tpu.bitcast %abs3A_105 : vector<512x128xf32> -> vector<512x128xi32>
    %stack3A = vector.shape_cast %bitcast_convert_type3A : vector<512x128xi32> to vector<1x512x128xi32>
    %stack3A_107 = vector.shape_cast %bitcast_convert_type3A_26 : vector<512x128xi32> to vector<1x512x128xi32>
    %stack3A_108 = vector.shape_cast %bitcast_convert_type3A_42 : vector<512x128xi32> to vector<1x512x128xi32>
    %stack3A_109 = vector.shape_cast %bitcast_convert_type3A_58 : vector<512x128xi32> to vector<1x512x128xi32>
    %stack3A_110 = vector.shape_cast %bitcast_convert_type3A_74 : vector<512x128xi32> to vector<1x512x128xi32>
    %stack3A_111 = vector.shape_cast %bitcast_convert_type3A_90 : vector<512x128xi32> to vector<1x512x128xi32>
    %stack3A_112 = vector.shape_cast %bitcast_convert_type3A_106 : vector<512x128xi32> to vector<1x512x128xi32>
    %stack3A_113 = tpu.concatenate %stack3A, %stack3A_107, %stack3A_108, %stack3A_109, %stack3A_110, %stack3A_111, %stack3A_112 in 0 : vector<1x512x128xi32>, vector<1x512x128xi32>, vector<1x512x128xi32>, vector<1x512x128xi32>, vector<1x512x128xi32>, vector<1x512x128xi32>, vector<1x512x128xi32> -> vector<7x512x128xi32>
    %broadcast_in_dim3A = arith.constant 0 : i32
    %broadcast_in_dim3A_114 = vector.broadcast %broadcast_in_dim3A : i32 to vector<7x1x128xi32>
    %broadcast_in_dim3A_115 = arith.constant 2139095040 : i32
    %broadcast_in_dim3A_116 = vector.broadcast %broadcast_in_dim3A_115 : i32 to vector<7x1x128xi32>
    %scan3A = arith.constant 0 : i32
    %sub3A = arith.subi %broadcast_in_dim3A_116, %broadcast_in_dim3A_114 : vector<7x1x128xi32>
    %shift_right_arithmetic3A = arith.constant 1 : i32
    %shift_right_arithmetic3A_117 = vector.broadcast %shift_right_arithmetic3A : i32 to vector<7x1x128xi32>
    %shift_right_arithmetic3A_118 = arith.shrsi %sub3A, %shift_right_arithmetic3A_117 : vector<7x1x128xi32>
    %add3A = arith.addi %broadcast_in_dim3A_114, %shift_right_arithmetic3A_118 : vector<7x1x128xi32>
    %ge3A = vector.broadcast %add3A : vector<7x1x128xi32> to vector<7x512x128xi32>
    %ge3A_119 = arith.cmpi sge, %stack3A_113, %ge3A : vector<7x512x128xi32>
    %convert_element_type3A = arith.extui %ge3A_119 : vector<7x512x128xi1> to vector<7x512x128xi32>
    %reduce_sum3A = arith.constant dense<0> : vector<7x128xi32>
    %reduce_sum3A_120 = vector.multi_reduction <add>, %convert_element_type3A, %reduce_sum3A [1] : vector<7x512x128xi32> to vector<7x128xi32>
    %broadcast_in_dim3A_121 = vector.shape_cast %reduce_sum3A_120 : vector<7x128xi32> to vector<7x1x128xi32>
    %ge3A_122 = arith.constant 51 : i32
    %ge3A_123 = vector.broadcast %ge3A_122 : i32 to vector<7x1x128xi32>
    %ge3A_124 = arith.cmpi sge, %broadcast_in_dim3A_121, %ge3A_123 : vector<7x1x128xi32>
    %select_n3A = arith.select %ge3A_124, %add3A, %broadcast_in_dim3A_114 : vector<7x1x128xi1>, vector<7x1x128xi32>
    %select_n3A_125 = arith.select %ge3A_124, %broadcast_in_dim3A_116, %add3A : vector<7x1x128xi1>, vector<7x1x128xi32>
    %scan3A_126 = arith.constant 1 : i32
    %sub3A_127 = arith.subi %select_n3A_125, %select_n3A : vector<7x1x128xi32>
    %shift_right_arithmetic3A_128 = arith.constant 1 : i32
    %shift_right_arithmetic3A_129 = vector.broadcast %shift_right_arithmetic3A_128 : i32 to vector<7x1x128xi32>
    %shift_right_arithmetic3A_130 = arith.shrsi %sub3A_127, %shift_right_arithmetic3A_129 : vector<7x1x128xi32>
    %add3A_131 = arith.addi %select_n3A, %shift_right_arithmetic3A_130 : vector<7x1x128xi32>
    %ge3A_132 = vector.broadcast %add3A_131 : vector<7x1x128xi32> to vector<7x512x128xi32>
    %ge3A_133 = arith.cmpi sge, %stack3A_113, %ge3A_132 : vector<7x512x128xi32>
    %convert_element_type3A_134 = arith.extui %ge3A_133 : vector<7x512x128xi1> to vector<7x512x128xi32>
    %reduce_sum3A_135 = arith.constant dense<0> : vector<7x128xi32>
    %reduce_sum3A_136 = vector.multi_reduction <add>, %convert_element_type3A_134, %reduce_sum3A_135 [1] : vector<7x512x128xi32> to vector<7x128xi32>
    %broadcast_in_dim3A_137 = vector.shape_cast %reduce_sum3A_136 : vector<7x128xi32> to vector<7x1x128xi32>
    %ge3A_138 = arith.constant 51 : i32
    %ge3A_139 = vector.broadcast %ge3A_138 : i32 to vector<7x1x128xi32>
    %ge3A_140 = arith.cmpi sge, %broadcast_in_dim3A_137, %ge3A_139 : vector<7x1x128xi32>
    %select_n3A_141 = arith.select %ge3A_140, %add3A_131, %select_n3A : vector<7x1x128xi1>, vector<7x1x128xi32>
    %select_n3A_142 = arith.select %ge3A_140, %select_n3A_125, %add3A_131 : vector<7x1x128xi1>, vector<7x1x128xi32>
    %scan3A_143 = arith.constant 2 : i32
    %sub3A_144 = arith.subi %select_n3A_142, %select_n3A_141 : vector<7x1x128xi32>
    %shift_right_arithmetic3A_145 = arith.constant 1 : i32
    %shift_right_arithmetic3A_146 = vector.broadcast %shift_right_arithmetic3A_145 : i32 to vector<7x1x128xi32>
    %shift_right_arithmetic3A_147 = arith.shrsi %sub3A_144, %shift_right_arithmetic3A_146 : vector<7x1x128xi32>
    %add3A_148 = arith.addi %select_n3A_141, %shift_right_arithmetic3A_147 : vector<7x1x128xi32>
    %ge3A_149 = vector.broadcast %add3A_148 : vector<7x1x128xi32> to vector<7x512x128xi32>
    %ge3A_150 = arith.cmpi sge, %stack3A_113, %ge3A_149 : vector<7x512x128xi32>
    %convert_element_type3A_151 = arith.extui %ge3A_150 : vector<7x512x128xi1> to vector<7x512x128xi32>
    %reduce_sum3A_152 = arith.constant dense<0> : vector<7x128xi32>
    %reduce_sum3A_153 = vector.multi_reduction <add>, %convert_element_type3A_151, %reduce_sum3A_152 [1] : vector<7x512x128xi32> to vector<7x128xi32>
    %broadcast_in_dim3A_154 = vector.shape_cast %reduce_sum3A_153 : vector<7x128xi32> to vector<7x1x128xi32>
    %ge3A_155 = arith.constant 51 : i32
    %ge3A_156 = vector.broadcast %ge3A_155 : i32 to vector<7x1x128xi32>
    %ge3A_157 = arith.cmpi sge, %broadcast_in_dim3A_154, %ge3A_156 : vector<7x1x128xi32>
    %select_n3A_158 = arith.select %ge3A_157, %add3A_148, %select_n3A_141 : vector<7x1x128xi1>, vector<7x1x128xi32>
    %select_n3A_159 = arith.select %ge3A_157, %select_n3A_142, %add3A_148 : vector<7x1x128xi1>, vector<7x1x128xi32>
    %scan3A_160 = arith.constant 3 : i32
    %sub3A_161 = arith.subi %select_n3A_159, %select_n3A_158 : vector<7x1x128xi32>
    %shift_right_arithmetic3A_162 = arith.constant 1 : i32
    %shift_right_arithmetic3A_163 = vector.broadcast %shift_right_arithmetic3A_162 : i32 to vector<7x1x128xi32>
    %shift_right_arithmetic3A_164 = arith.shrsi %sub3A_161, %shift_right_arithmetic3A_163 : vector<7x1x128xi32>
    %add3A_165 = arith.addi %select_n3A_158, %shift_right_arithmetic3A_164 : vector<7x1x128xi32>
    %ge3A_166 = vector.broadcast %add3A_165 : vector<7x1x128xi32> to vector<7x512x128xi32>
    %ge3A_167 = arith.cmpi sge, %stack3A_113, %ge3A_166 : vector<7x512x128xi32>
    %convert_element_type3A_168 = arith.extui %ge3A_167 : vector<7x512x128xi1> to vector<7x512x128xi32>
    %reduce_sum3A_169 = arith.constant dense<0> : vector<7x128xi32>
    %reduce_sum3A_170 = vector.multi_reduction <add>, %convert_element_type3A_168, %reduce_sum3A_169 [1] : vector<7x512x128xi32> to vector<7x128xi32>
    %broadcast_in_dim3A_171 = vector.shape_cast %reduce_sum3A_170 : vector<7x128xi32> to vector<7x1x128xi32>
    %ge3A_172 = arith.constant 51 : i32
    %ge3A_173 = vector.broadcast %ge3A_172 : i32 to vector<7x1x128xi32>
    %ge3A_174 = arith.cmpi sge, %broadcast_in_dim3A_171, %ge3A_173 : vector<7x1x128xi32>
    %select_n3A_175 = arith.select %ge3A_174, %add3A_165, %select_n3A_158 : vector<7x1x128xi1>, vector<7x1x128xi32>
    %select_n3A_176 = arith.select %ge3A_174, %select_n3A_159, %add3A_165 : vector<7x1x128xi1>, vector<7x1x128xi32>
    %scan3A_177 = arith.constant 4 : i32
    %sub3A_178 = arith.subi %select_n3A_176, %select_n3A_175 : vector<7x1x128xi32>
    %shift_right_arithmetic3A_179 = arith.constant 1 : i32
    %shift_right_arithmetic3A_180 = vector.broadcast %shift_right_arithmetic3A_179 : i32 to vector<7x1x128xi32>
    %shift_right_arithmetic3A_181 = arith.shrsi %sub3A_178, %shift_right_arithmetic3A_180 : vector<7x1x128xi32>
    %add3A_182 = arith.addi %select_n3A_175, %shift_right_arithmetic3A_181 : vector<7x1x128xi32>
    %ge3A_183 = vector.broadcast %add3A_182 : vector<7x1x128xi32> to vector<7x512x128xi32>
    %ge3A_184 = arith.cmpi sge, %stack3A_113, %ge3A_183 : vector<7x512x128xi32>
    %convert_element_type3A_185 = arith.extui %ge3A_184 : vector<7x512x128xi1> to vector<7x512x128xi32>
    %reduce_sum3A_186 = arith.constant dense<0> : vector<7x128xi32>
    %reduce_sum3A_187 = vector.multi_reduction <add>, %convert_element_type3A_185, %reduce_sum3A_186 [1] : vector<7x512x128xi32> to vector<7x128xi32>
    %broadcast_in_dim3A_188 = vector.shape_cast %reduce_sum3A_187 : vector<7x128xi32> to vector<7x1x128xi32>
    %ge3A_189 = arith.constant 51 : i32
    %ge3A_190 = vector.broadcast %ge3A_189 : i32 to vector<7x1x128xi32>
    %ge3A_191 = arith.cmpi sge, %broadcast_in_dim3A_188, %ge3A_190 : vector<7x1x128xi32>
    %select_n3A_192 = arith.select %ge3A_191, %add3A_182, %select_n3A_175 : vector<7x1x128xi1>, vector<7x1x128xi32>
    %select_n3A_193 = arith.select %ge3A_191, %select_n3A_176, %add3A_182 : vector<7x1x128xi1>, vector<7x1x128xi32>
    %scan3A_194 = arith.constant 5 : i32
    %sub3A_195 = arith.subi %select_n3A_193, %select_n3A_192 : vector<7x1x128xi32>
    %shift_right_arithmetic3A_196 = arith.constant 1 : i32
    %shift_right_arithmetic3A_197 = vector.broadcast %shift_right_arithmetic3A_196 : i32 to vector<7x1x128xi32>
    %shift_right_arithmetic3A_198 = arith.shrsi %sub3A_195, %shift_right_arithmetic3A_197 : vector<7x1x128xi32>
    %add3A_199 = arith.addi %select_n3A_192, %shift_right_arithmetic3A_198 : vector<7x1x128xi32>
    %ge3A_200 = vector.broadcast %add3A_199 : vector<7x1x128xi32> to vector<7x512x128xi32>
    %ge3A_201 = arith.cmpi sge, %stack3A_113, %ge3A_200 : vector<7x512x128xi32>
    %convert_element_type3A_202 = arith.extui %ge3A_201 : vector<7x512x128xi1> to vector<7x512x128xi32>
    %reduce_sum3A_203 = arith.constant dense<0> : vector<7x128xi32>
    %reduce_sum3A_204 = vector.multi_reduction <add>, %convert_element_type3A_202, %reduce_sum3A_203 [1] : vector<7x512x128xi32> to vector<7x128xi32>
    %broadcast_in_dim3A_205 = vector.shape_cast %reduce_sum3A_204 : vector<7x128xi32> to vector<7x1x128xi32>
    %ge3A_206 = arith.constant 51 : i32
    %ge3A_207 = vector.broadcast %ge3A_206 : i32 to vector<7x1x128xi32>
    %ge3A_208 = arith.cmpi sge, %broadcast_in_dim3A_205, %ge3A_207 : vector<7x1x128xi32>
    %select_n3A_209 = arith.select %ge3A_208, %add3A_199, %select_n3A_192 : vector<7x1x128xi1>, vector<7x1x128xi32>
    %select_n3A_210 = arith.select %ge3A_208, %select_n3A_193, %add3A_199 : vector<7x1x128xi1>, vector<7x1x128xi32>
    %scan3A_211 = arith.constant 6 : i32
    %sub3A_212 = arith.subi %select_n3A_210, %select_n3A_209 : vector<7x1x128xi32>
    %shift_right_arithmetic3A_213 = arith.constant 1 : i32
    %shift_right_arithmetic3A_214 = vector.broadcast %shift_right_arithmetic3A_213 : i32 to vector<7x1x128xi32>
    %shift_right_arithmetic3A_215 = arith.shrsi %sub3A_212, %shift_right_arithmetic3A_214 : vector<7x1x128xi32>
    %add3A_216 = arith.addi %select_n3A_209, %shift_right_arithmetic3A_215 : vector<7x1x128xi32>
    %ge3A_217 = vector.broadcast %add3A_216 : vector<7x1x128xi32> to vector<7x512x128xi32>
    %ge3A_218 = arith.cmpi sge, %stack3A_113, %ge3A_217 : vector<7x512x128xi32>
    %convert_element_type3A_219 = arith.extui %ge3A_218 : vector<7x512x128xi1> to vector<7x512x128xi32>
    %reduce_sum3A_220 = arith.constant dense<0> : vector<7x128xi32>
    %reduce_sum3A_221 = vector.multi_reduction <add>, %convert_element_type3A_219, %reduce_sum3A_220 [1] : vector<7x512x128xi32> to vector<7x128xi32>
    %broadcast_in_dim3A_222 = vector.shape_cast %reduce_sum3A_221 : vector<7x128xi32> to vector<7x1x128xi32>
    %ge3A_223 = arith.constant 51 : i32
    %ge3A_224 = vector.broadcast %ge3A_223 : i32 to vector<7x1x128xi32>
    %ge3A_225 = arith.cmpi sge, %broadcast_in_dim3A_222, %ge3A_224 : vector<7x1x128xi32>
    %select_n3A_226 = arith.select %ge3A_225, %add3A_216, %select_n3A_209 : vector<7x1x128xi1>, vector<7x1x128xi32>
    %select_n3A_227 = arith.select %ge3A_225, %select_n3A_210, %add3A_216 : vector<7x1x128xi1>, vector<7x1x128xi32>
    %scan3A_228 = arith.constant 7 : i32
    %sub3A_229 = arith.subi %select_n3A_227, %select_n3A_226 : vector<7x1x128xi32>
    %shift_right_arithmetic3A_230 = arith.constant 1 : i32
    %shift_right_arithmetic3A_231 = vector.broadcast %shift_right_arithmetic3A_230 : i32 to vector<7x1x128xi32>
    %shift_right_arithmetic3A_232 = arith.shrsi %sub3A_229, %shift_right_arithmetic3A_231 : vector<7x1x128xi32>
    %add3A_233 = arith.addi %select_n3A_226, %shift_right_arithmetic3A_232 : vector<7x1x128xi32>
    %ge3A_234 = vector.broadcast %add3A_233 : vector<7x1x128xi32> to vector<7x512x128xi32>
    %ge3A_235 = arith.cmpi sge, %stack3A_113, %ge3A_234 : vector<7x512x128xi32>
    %convert_element_type3A_236 = arith.extui %ge3A_235 : vector<7x512x128xi1> to vector<7x512x128xi32>
    %reduce_sum3A_237 = arith.constant dense<0> : vector<7x128xi32>
    %reduce_sum3A_238 = vector.multi_reduction <add>, %convert_element_type3A_236, %reduce_sum3A_237 [1] : vector<7x512x128xi32> to vector<7x128xi32>
    %broadcast_in_dim3A_239 = vector.shape_cast %reduce_sum3A_238 : vector<7x128xi32> to vector<7x1x128xi32>
    %ge3A_240 = arith.constant 51 : i32
    %ge3A_241 = vector.broadcast %ge3A_240 : i32 to vector<7x1x128xi32>
    %ge3A_242 = arith.cmpi sge, %broadcast_in_dim3A_239, %ge3A_241 : vector<7x1x128xi32>
    %select_n3A_243 = arith.select %ge3A_242, %add3A_233, %select_n3A_226 : vector<7x1x128xi1>, vector<7x1x128xi32>
    %select_n3A_244 = arith.select %ge3A_242, %select_n3A_227, %add3A_233 : vector<7x1x128xi1>, vector<7x1x128xi32>
    %scan3A_245 = arith.constant 8 : i32
    %sub3A_246 = arith.subi %select_n3A_244, %select_n3A_243 : vector<7x1x128xi32>
    %shift_right_arithmetic3A_247 = arith.constant 1 : i32
    %shift_right_arithmetic3A_248 = vector.broadcast %shift_right_arithmetic3A_247 : i32 to vector<7x1x128xi32>
    %shift_right_arithmetic3A_249 = arith.shrsi %sub3A_246, %shift_right_arithmetic3A_248 : vector<7x1x128xi32>
    %add3A_250 = arith.addi %select_n3A_243, %shift_right_arithmetic3A_249 : vector<7x1x128xi32>
    %ge3A_251 = vector.broadcast %add3A_250 : vector<7x1x128xi32> to vector<7x512x128xi32>
    %ge3A_252 = arith.cmpi sge, %stack3A_113, %ge3A_251 : vector<7x512x128xi32>
    %convert_element_type3A_253 = arith.extui %ge3A_252 : vector<7x512x128xi1> to vector<7x512x128xi32>
    %reduce_sum3A_254 = arith.constant dense<0> : vector<7x128xi32>
    %reduce_sum3A_255 = vector.multi_reduction <add>, %convert_element_type3A_253, %reduce_sum3A_254 [1] : vector<7x512x128xi32> to vector<7x128xi32>
    %broadcast_in_dim3A_256 = vector.shape_cast %reduce_sum3A_255 : vector<7x128xi32> to vector<7x1x128xi32>
    %ge3A_257 = arith.constant 51 : i32
    %ge3A_258 = vector.broadcast %ge3A_257 : i32 to vector<7x1x128xi32>
    %ge3A_259 = arith.cmpi sge, %broadcast_in_dim3A_256, %ge3A_258 : vector<7x1x128xi32>
    %select_n3A_260 = arith.select %ge3A_259, %add3A_250, %select_n3A_243 : vector<7x1x128xi1>, vector<7x1x128xi32>
    %select_n3A_261 = arith.select %ge3A_259, %select_n3A_244, %add3A_250 : vector<7x1x128xi1>, vector<7x1x128xi32>
    %scan3A_262 = arith.constant 9 : i32
    %sub3A_263 = arith.subi %select_n3A_261, %select_n3A_260 : vector<7x1x128xi32>
    %shift_right_arithmetic3A_264 = arith.constant 1 : i32
    %shift_right_arithmetic3A_265 = vector.broadcast %shift_right_arithmetic3A_264 : i32 to vector<7x1x128xi32>
    %shift_right_arithmetic3A_266 = arith.shrsi %sub3A_263, %shift_right_arithmetic3A_265 : vector<7x1x128xi32>
    %add3A_267 = arith.addi %select_n3A_260, %shift_right_arithmetic3A_266 : vector<7x1x128xi32>
    %ge3A_268 = vector.broadcast %add3A_267 : vector<7x1x128xi32> to vector<7x512x128xi32>
    %ge3A_269 = arith.cmpi sge, %stack3A_113, %ge3A_268 : vector<7x512x128xi32>
    %convert_element_type3A_270 = arith.extui %ge3A_269 : vector<7x512x128xi1> to vector<7x512x128xi32>
    %reduce_sum3A_271 = arith.constant dense<0> : vector<7x128xi32>
    %reduce_sum3A_272 = vector.multi_reduction <add>, %convert_element_type3A_270, %reduce_sum3A_271 [1] : vector<7x512x128xi32> to vector<7x128xi32>
    %broadcast_in_dim3A_273 = vector.shape_cast %reduce_sum3A_272 : vector<7x128xi32> to vector<7x1x128xi32>
    %ge3A_274 = arith.constant 51 : i32
    %ge3A_275 = vector.broadcast %ge3A_274 : i32 to vector<7x1x128xi32>
    %ge3A_276 = arith.cmpi sge, %broadcast_in_dim3A_273, %ge3A_275 : vector<7x1x128xi32>
    %select_n3A_277 = arith.select %ge3A_276, %add3A_267, %select_n3A_260 : vector<7x1x128xi1>, vector<7x1x128xi32>
    %select_n3A_278 = arith.select %ge3A_276, %select_n3A_261, %add3A_267 : vector<7x1x128xi1>, vector<7x1x128xi32>
    %scan3A_279 = arith.constant 10 : i32
    %sub3A_280 = arith.subi %select_n3A_278, %select_n3A_277 : vector<7x1x128xi32>
    %shift_right_arithmetic3A_281 = arith.constant 1 : i32
    %shift_right_arithmetic3A_282 = vector.broadcast %shift_right_arithmetic3A_281 : i32 to vector<7x1x128xi32>
    %shift_right_arithmetic3A_283 = arith.shrsi %sub3A_280, %shift_right_arithmetic3A_282 : vector<7x1x128xi32>
    %add3A_284 = arith.addi %select_n3A_277, %shift_right_arithmetic3A_283 : vector<7x1x128xi32>
    %ge3A_285 = vector.broadcast %add3A_284 : vector<7x1x128xi32> to vector<7x512x128xi32>
    %ge3A_286 = arith.cmpi sge, %stack3A_113, %ge3A_285 : vector<7x512x128xi32>
    %convert_element_type3A_287 = arith.extui %ge3A_286 : vector<7x512x128xi1> to vector<7x512x128xi32>
    %reduce_sum3A_288 = arith.constant dense<0> : vector<7x128xi32>
    %reduce_sum3A_289 = vector.multi_reduction <add>, %convert_element_type3A_287, %reduce_sum3A_288 [1] : vector<7x512x128xi32> to vector<7x128xi32>
    %broadcast_in_dim3A_290 = vector.shape_cast %reduce_sum3A_289 : vector<7x128xi32> to vector<7x1x128xi32>
    %ge3A_291 = arith.constant 51 : i32
    %ge3A_292 = vector.broadcast %ge3A_291 : i32 to vector<7x1x128xi32>
    %ge3A_293 = arith.cmpi sge, %broadcast_in_dim3A_290, %ge3A_292 : vector<7x1x128xi32>
    %select_n3A_294 = arith.select %ge3A_293, %add3A_284, %select_n3A_277 : vector<7x1x128xi1>, vector<7x1x128xi32>
    %select_n3A_295 = arith.select %ge3A_293, %select_n3A_278, %add3A_284 : vector<7x1x128xi1>, vector<7x1x128xi32>
    %scan3A_296 = arith.constant 11 : i32
    %sub3A_297 = arith.subi %select_n3A_295, %select_n3A_294 : vector<7x1x128xi32>
    %shift_right_arithmetic3A_298 = arith.constant 1 : i32
    %shift_right_arithmetic3A_299 = vector.broadcast %shift_right_arithmetic3A_298 : i32 to vector<7x1x128xi32>
    %shift_right_arithmetic3A_300 = arith.shrsi %sub3A_297, %shift_right_arithmetic3A_299 : vector<7x1x128xi32>
    %add3A_301 = arith.addi %select_n3A_294, %shift_right_arithmetic3A_300 : vector<7x1x128xi32>
    %ge3A_302 = vector.broadcast %add3A_301 : vector<7x1x128xi32> to vector<7x512x128xi32>
    %ge3A_303 = arith.cmpi sge, %stack3A_113, %ge3A_302 : vector<7x512x128xi32>
    %convert_element_type3A_304 = arith.extui %ge3A_303 : vector<7x512x128xi1> to vector<7x512x128xi32>
    %reduce_sum3A_305 = arith.constant dense<0> : vector<7x128xi32>
    %reduce_sum3A_306 = vector.multi_reduction <add>, %convert_element_type3A_304, %reduce_sum3A_305 [1] : vector<7x512x128xi32> to vector<7x128xi32>
    %broadcast_in_dim3A_307 = vector.shape_cast %reduce_sum3A_306 : vector<7x128xi32> to vector<7x1x128xi32>
    %ge3A_308 = arith.constant 51 : i32
    %ge3A_309 = vector.broadcast %ge3A_308 : i32 to vector<7x1x128xi32>
    %ge3A_310 = arith.cmpi sge, %broadcast_in_dim3A_307, %ge3A_309 : vector<7x1x128xi32>
    %select_n3A_311 = arith.select %ge3A_310, %add3A_301, %select_n3A_294 : vector<7x1x128xi1>, vector<7x1x128xi32>
    %select_n3A_312 = arith.select %ge3A_310, %select_n3A_295, %add3A_301 : vector<7x1x128xi1>, vector<7x1x128xi32>
    %scan3A_313 = arith.constant 12 : i32
    %sub3A_314 = arith.subi %select_n3A_312, %select_n3A_311 : vector<7x1x128xi32>
    %shift_right_arithmetic3A_315 = arith.constant 1 : i32
    %shift_right_arithmetic3A_316 = vector.broadcast %shift_right_arithmetic3A_315 : i32 to vector<7x1x128xi32>
    %shift_right_arithmetic3A_317 = arith.shrsi %sub3A_314, %shift_right_arithmetic3A_316 : vector<7x1x128xi32>
    %add3A_318 = arith.addi %select_n3A_311, %shift_right_arithmetic3A_317 : vector<7x1x128xi32>
    %ge3A_319 = vector.broadcast %add3A_318 : vector<7x1x128xi32> to vector<7x512x128xi32>
    %ge3A_320 = arith.cmpi sge, %stack3A_113, %ge3A_319 : vector<7x512x128xi32>
    %convert_element_type3A_321 = arith.extui %ge3A_320 : vector<7x512x128xi1> to vector<7x512x128xi32>
    %reduce_sum3A_322 = arith.constant dense<0> : vector<7x128xi32>
    %reduce_sum3A_323 = vector.multi_reduction <add>, %convert_element_type3A_321, %reduce_sum3A_322 [1] : vector<7x512x128xi32> to vector<7x128xi32>
    %broadcast_in_dim3A_324 = vector.shape_cast %reduce_sum3A_323 : vector<7x128xi32> to vector<7x1x128xi32>
    %ge3A_325 = arith.constant 51 : i32
    %ge3A_326 = vector.broadcast %ge3A_325 : i32 to vector<7x1x128xi32>
    %ge3A_327 = arith.cmpi sge, %broadcast_in_dim3A_324, %ge3A_326 : vector<7x1x128xi32>
    %select_n3A_328 = arith.select %ge3A_327, %add3A_318, %select_n3A_311 : vector<7x1x128xi1>, vector<7x1x128xi32>
    %select_n3A_329 = arith.select %ge3A_327, %select_n3A_312, %add3A_318 : vector<7x1x128xi1>, vector<7x1x128xi32>
    %scan3A_330 = arith.constant 13 : i32
    %sub3A_331 = arith.subi %select_n3A_329, %select_n3A_328 : vector<7x1x128xi32>
    %shift_right_arithmetic3A_332 = arith.constant 1 : i32
    %shift_right_arithmetic3A_333 = vector.broadcast %shift_right_arithmetic3A_332 : i32 to vector<7x1x128xi32>
    %shift_right_arithmetic3A_334 = arith.shrsi %sub3A_331, %shift_right_arithmetic3A_333 : vector<7x1x128xi32>
    %add3A_335 = arith.addi %select_n3A_328, %shift_right_arithmetic3A_334 : vector<7x1x128xi32>
    %ge3A_336 = vector.broadcast %add3A_335 : vector<7x1x128xi32> to vector<7x512x128xi32>
    %ge3A_337 = arith.cmpi sge, %stack3A_113, %ge3A_336 : vector<7x512x128xi32>
    %convert_element_type3A_338 = arith.extui %ge3A_337 : vector<7x512x128xi1> to vector<7x512x128xi32>
    %reduce_sum3A_339 = arith.constant dense<0> : vector<7x128xi32>
    %reduce_sum3A_340 = vector.multi_reduction <add>, %convert_element_type3A_338, %reduce_sum3A_339 [1] : vector<7x512x128xi32> to vector<7x128xi32>
    %broadcast_in_dim3A_341 = vector.shape_cast %reduce_sum3A_340 : vector<7x128xi32> to vector<7x1x128xi32>
    %ge3A_342 = arith.constant 51 : i32
    %ge3A_343 = vector.broadcast %ge3A_342 : i32 to vector<7x1x128xi32>
    %ge3A_344 = arith.cmpi sge, %broadcast_in_dim3A_341, %ge3A_343 : vector<7x1x128xi32>
    %select_n3A_345 = arith.select %ge3A_344, %add3A_335, %select_n3A_328 : vector<7x1x128xi1>, vector<7x1x128xi32>
    %select_n3A_346 = arith.select %ge3A_344, %select_n3A_329, %add3A_335 : vector<7x1x128xi1>, vector<7x1x128xi32>
    %scan3A_347 = arith.constant 14 : i32
    %sub3A_348 = arith.subi %select_n3A_346, %select_n3A_345 : vector<7x1x128xi32>
    %shift_right_arithmetic3A_349 = arith.constant 1 : i32
    %shift_right_arithmetic3A_350 = vector.broadcast %shift_right_arithmetic3A_349 : i32 to vector<7x1x128xi32>
    %shift_right_arithmetic3A_351 = arith.shrsi %sub3A_348, %shift_right_arithmetic3A_350 : vector<7x1x128xi32>
    %add3A_352 = arith.addi %select_n3A_345, %shift_right_arithmetic3A_351 : vector<7x1x128xi32>
    %ge3A_353 = vector.broadcast %add3A_352 : vector<7x1x128xi32> to vector<7x512x128xi32>
    %ge3A_354 = arith.cmpi sge, %stack3A_113, %ge3A_353 : vector<7x512x128xi32>
    %convert_element_type3A_355 = arith.extui %ge3A_354 : vector<7x512x128xi1> to vector<7x512x128xi32>
    %reduce_sum3A_356 = arith.constant dense<0> : vector<7x128xi32>
    %reduce_sum3A_357 = vector.multi_reduction <add>, %convert_element_type3A_355, %reduce_sum3A_356 [1] : vector<7x512x128xi32> to vector<7x128xi32>
    %broadcast_in_dim3A_358 = vector.shape_cast %reduce_sum3A_357 : vector<7x128xi32> to vector<7x1x128xi32>
    %ge3A_359 = arith.constant 51 : i32
    %ge3A_360 = vector.broadcast %ge3A_359 : i32 to vector<7x1x128xi32>
    %ge3A_361 = arith.cmpi sge, %broadcast_in_dim3A_358, %ge3A_360 : vector<7x1x128xi32>
    %select_n3A_362 = arith.select %ge3A_361, %add3A_352, %select_n3A_345 : vector<7x1x128xi1>, vector<7x1x128xi32>
    %select_n3A_363 = arith.select %ge3A_361, %select_n3A_346, %add3A_352 : vector<7x1x128xi1>, vector<7x1x128xi32>
    %scan3A_364 = arith.constant 15 : i32
    %sub3A_365 = arith.subi %select_n3A_363, %select_n3A_362 : vector<7x1x128xi32>
    %shift_right_arithmetic3A_366 = arith.constant 1 : i32
    %shift_right_arithmetic3A_367 = vector.broadcast %shift_right_arithmetic3A_366 : i32 to vector<7x1x128xi32>
    %shift_right_arithmetic3A_368 = arith.shrsi %sub3A_365, %shift_right_arithmetic3A_367 : vector<7x1x128xi32>
    %add3A_369 = arith.addi %select_n3A_362, %shift_right_arithmetic3A_368 : vector<7x1x128xi32>
    %ge3A_370 = vector.broadcast %add3A_369 : vector<7x1x128xi32> to vector<7x512x128xi32>
    %ge3A_371 = arith.cmpi sge, %stack3A_113, %ge3A_370 : vector<7x512x128xi32>
    %convert_element_type3A_372 = arith.extui %ge3A_371 : vector<7x512x128xi1> to vector<7x512x128xi32>
    %reduce_sum3A_373 = arith.constant dense<0> : vector<7x128xi32>
    %reduce_sum3A_374 = vector.multi_reduction <add>, %convert_element_type3A_372, %reduce_sum3A_373 [1] : vector<7x512x128xi32> to vector<7x128xi32>
    %broadcast_in_dim3A_375 = vector.shape_cast %reduce_sum3A_374 : vector<7x128xi32> to vector<7x1x128xi32>
    %ge3A_376 = arith.constant 51 : i32
    %ge3A_377 = vector.broadcast %ge3A_376 : i32 to vector<7x1x128xi32>
    %ge3A_378 = arith.cmpi sge, %broadcast_in_dim3A_375, %ge3A_377 : vector<7x1x128xi32>
    %select_n3A_379 = arith.select %ge3A_378, %add3A_369, %select_n3A_362 : vector<7x1x128xi1>, vector<7x1x128xi32>
    %select_n3A_380 = arith.select %ge3A_378, %select_n3A_363, %add3A_369 : vector<7x1x128xi1>, vector<7x1x128xi32>
    %scan3A_381 = arith.constant 16 : i32
    %sub3A_382 = arith.subi %select_n3A_380, %select_n3A_379 : vector<7x1x128xi32>
    %shift_right_arithmetic3A_383 = arith.constant 1 : i32
    %shift_right_arithmetic3A_384 = vector.broadcast %shift_right_arithmetic3A_383 : i32 to vector<7x1x128xi32>
    %shift_right_arithmetic3A_385 = arith.shrsi %sub3A_382, %shift_right_arithmetic3A_384 : vector<7x1x128xi32>
    %add3A_386 = arith.addi %select_n3A_379, %shift_right_arithmetic3A_385 : vector<7x1x128xi32>
    %ge3A_387 = vector.broadcast %add3A_386 : vector<7x1x128xi32> to vector<7x512x128xi32>
    %ge3A_388 = arith.cmpi sge, %stack3A_113, %ge3A_387 : vector<7x512x128xi32>
    %convert_element_type3A_389 = arith.extui %ge3A_388 : vector<7x512x128xi1> to vector<7x512x128xi32>
    %reduce_sum3A_390 = arith.constant dense<0> : vector<7x128xi32>
    %reduce_sum3A_391 = vector.multi_reduction <add>, %convert_element_type3A_389, %reduce_sum3A_390 [1] : vector<7x512x128xi32> to vector<7x128xi32>
    %broadcast_in_dim3A_392 = vector.shape_cast %reduce_sum3A_391 : vector<7x128xi32> to vector<7x1x128xi32>
    %ge3A_393 = arith.constant 51 : i32
    %ge3A_394 = vector.broadcast %ge3A_393 : i32 to vector<7x1x128xi32>
    %ge3A_395 = arith.cmpi sge, %broadcast_in_dim3A_392, %ge3A_394 : vector<7x1x128xi32>
    %select_n3A_396 = arith.select %ge3A_395, %add3A_386, %select_n3A_379 : vector<7x1x128xi1>, vector<7x1x128xi32>
    %select_n3A_397 = arith.select %ge3A_395, %select_n3A_380, %add3A_386 : vector<7x1x128xi1>, vector<7x1x128xi32>
    %scan3A_398 = arith.constant 17 : i32
    %sub3A_399 = arith.subi %select_n3A_397, %select_n3A_396 : vector<7x1x128xi32>
    %shift_right_arithmetic3A_400 = arith.constant 1 : i32
    %shift_right_arithmetic3A_401 = vector.broadcast %shift_right_arithmetic3A_400 : i32 to vector<7x1x128xi32>
    %shift_right_arithmetic3A_402 = arith.shrsi %sub3A_399, %shift_right_arithmetic3A_401 : vector<7x1x128xi32>
    %add3A_403 = arith.addi %select_n3A_396, %shift_right_arithmetic3A_402 : vector<7x1x128xi32>
    %ge3A_404 = vector.broadcast %add3A_403 : vector<7x1x128xi32> to vector<7x512x128xi32>
    %ge3A_405 = arith.cmpi sge, %stack3A_113, %ge3A_404 : vector<7x512x128xi32>
    %convert_element_type3A_406 = arith.extui %ge3A_405 : vector<7x512x128xi1> to vector<7x512x128xi32>
    %reduce_sum3A_407 = arith.constant dense<0> : vector<7x128xi32>
    %reduce_sum3A_408 = vector.multi_reduction <add>, %convert_element_type3A_406, %reduce_sum3A_407 [1] : vector<7x512x128xi32> to vector<7x128xi32>
    %broadcast_in_dim3A_409 = vector.shape_cast %reduce_sum3A_408 : vector<7x128xi32> to vector<7x1x128xi32>
    %ge3A_410 = arith.constant 51 : i32
    %ge3A_411 = vector.broadcast %ge3A_410 : i32 to vector<7x1x128xi32>
    %ge3A_412 = arith.cmpi sge, %broadcast_in_dim3A_409, %ge3A_411 : vector<7x1x128xi32>
    %select_n3A_413 = arith.select %ge3A_412, %add3A_403, %select_n3A_396 : vector<7x1x128xi1>, vector<7x1x128xi32>
    %select_n3A_414 = arith.select %ge3A_412, %select_n3A_397, %add3A_403 : vector<7x1x128xi1>, vector<7x1x128xi32>
    %scan3A_415 = arith.constant 18 : i32
    %sub3A_416 = arith.subi %select_n3A_414, %select_n3A_413 : vector<7x1x128xi32>
    %shift_right_arithmetic3A_417 = arith.constant 1 : i32
    %shift_right_arithmetic3A_418 = vector.broadcast %shift_right_arithmetic3A_417 : i32 to vector<7x1x128xi32>
    %shift_right_arithmetic3A_419 = arith.shrsi %sub3A_416, %shift_right_arithmetic3A_418 : vector<7x1x128xi32>
    %add3A_420 = arith.addi %select_n3A_413, %shift_right_arithmetic3A_419 : vector<7x1x128xi32>
    %ge3A_421 = vector.broadcast %add3A_420 : vector<7x1x128xi32> to vector<7x512x128xi32>
    %ge3A_422 = arith.cmpi sge, %stack3A_113, %ge3A_421 : vector<7x512x128xi32>
    %convert_element_type3A_423 = arith.extui %ge3A_422 : vector<7x512x128xi1> to vector<7x512x128xi32>
    %reduce_sum3A_424 = arith.constant dense<0> : vector<7x128xi32>
    %reduce_sum3A_425 = vector.multi_reduction <add>, %convert_element_type3A_423, %reduce_sum3A_424 [1] : vector<7x512x128xi32> to vector<7x128xi32>
    %broadcast_in_dim3A_426 = vector.shape_cast %reduce_sum3A_425 : vector<7x128xi32> to vector<7x1x128xi32>
    %ge3A_427 = arith.constant 51 : i32
    %ge3A_428 = vector.broadcast %ge3A_427 : i32 to vector<7x1x128xi32>
    %ge3A_429 = arith.cmpi sge, %broadcast_in_dim3A_426, %ge3A_428 : vector<7x1x128xi32>
    %select_n3A_430 = arith.select %ge3A_429, %add3A_420, %select_n3A_413 : vector<7x1x128xi1>, vector<7x1x128xi32>
    %select_n3A_431 = arith.select %ge3A_429, %select_n3A_414, %add3A_420 : vector<7x1x128xi1>, vector<7x1x128xi32>
    %scan3A_432 = arith.constant 19 : i32
    %sub3A_433 = arith.subi %select_n3A_431, %select_n3A_430 : vector<7x1x128xi32>
    %shift_right_arithmetic3A_434 = arith.constant 1 : i32
    %shift_right_arithmetic3A_435 = vector.broadcast %shift_right_arithmetic3A_434 : i32 to vector<7x1x128xi32>
    %shift_right_arithmetic3A_436 = arith.shrsi %sub3A_433, %shift_right_arithmetic3A_435 : vector<7x1x128xi32>
    %add3A_437 = arith.addi %select_n3A_430, %shift_right_arithmetic3A_436 : vector<7x1x128xi32>
    %ge3A_438 = vector.broadcast %add3A_437 : vector<7x1x128xi32> to vector<7x512x128xi32>
    %ge3A_439 = arith.cmpi sge, %stack3A_113, %ge3A_438 : vector<7x512x128xi32>
    %convert_element_type3A_440 = arith.extui %ge3A_439 : vector<7x512x128xi1> to vector<7x512x128xi32>
    %reduce_sum3A_441 = arith.constant dense<0> : vector<7x128xi32>
    %reduce_sum3A_442 = vector.multi_reduction <add>, %convert_element_type3A_440, %reduce_sum3A_441 [1] : vector<7x512x128xi32> to vector<7x128xi32>
    %broadcast_in_dim3A_443 = vector.shape_cast %reduce_sum3A_442 : vector<7x128xi32> to vector<7x1x128xi32>
    %ge3A_444 = arith.constant 51 : i32
    %ge3A_445 = vector.broadcast %ge3A_444 : i32 to vector<7x1x128xi32>
    %ge3A_446 = arith.cmpi sge, %broadcast_in_dim3A_443, %ge3A_445 : vector<7x1x128xi32>
    %select_n3A_447 = arith.select %ge3A_446, %add3A_437, %select_n3A_430 : vector<7x1x128xi1>, vector<7x1x128xi32>
    %select_n3A_448 = arith.select %ge3A_446, %select_n3A_431, %add3A_437 : vector<7x1x128xi1>, vector<7x1x128xi32>
    %scan3A_449 = arith.constant 20 : i32
    %sub3A_450 = arith.subi %select_n3A_448, %select_n3A_447 : vector<7x1x128xi32>
    %shift_right_arithmetic3A_451 = arith.constant 1 : i32
    %shift_right_arithmetic3A_452 = vector.broadcast %shift_right_arithmetic3A_451 : i32 to vector<7x1x128xi32>
    %shift_right_arithmetic3A_453 = arith.shrsi %sub3A_450, %shift_right_arithmetic3A_452 : vector<7x1x128xi32>
    %add3A_454 = arith.addi %select_n3A_447, %shift_right_arithmetic3A_453 : vector<7x1x128xi32>
    %ge3A_455 = vector.broadcast %add3A_454 : vector<7x1x128xi32> to vector<7x512x128xi32>
    %ge3A_456 = arith.cmpi sge, %stack3A_113, %ge3A_455 : vector<7x512x128xi32>
    %convert_element_type3A_457 = arith.extui %ge3A_456 : vector<7x512x128xi1> to vector<7x512x128xi32>
    %reduce_sum3A_458 = arith.constant dense<0> : vector<7x128xi32>
    %reduce_sum3A_459 = vector.multi_reduction <add>, %convert_element_type3A_457, %reduce_sum3A_458 [1] : vector<7x512x128xi32> to vector<7x128xi32>
    %broadcast_in_dim3A_460 = vector.shape_cast %reduce_sum3A_459 : vector<7x128xi32> to vector<7x1x128xi32>
    %ge3A_461 = arith.constant 51 : i32
    %ge3A_462 = vector.broadcast %ge3A_461 : i32 to vector<7x1x128xi32>
    %ge3A_463 = arith.cmpi sge, %broadcast_in_dim3A_460, %ge3A_462 : vector<7x1x128xi32>
    %select_n3A_464 = arith.select %ge3A_463, %add3A_454, %select_n3A_447 : vector<7x1x128xi1>, vector<7x1x128xi32>
    %select_n3A_465 = arith.select %ge3A_463, %select_n3A_448, %add3A_454 : vector<7x1x128xi1>, vector<7x1x128xi32>
    %scan3A_466 = arith.constant 21 : i32
    %sub3A_467 = arith.subi %select_n3A_465, %select_n3A_464 : vector<7x1x128xi32>
    %shift_right_arithmetic3A_468 = arith.constant 1 : i32
    %shift_right_arithmetic3A_469 = vector.broadcast %shift_right_arithmetic3A_468 : i32 to vector<7x1x128xi32>
    %shift_right_arithmetic3A_470 = arith.shrsi %sub3A_467, %shift_right_arithmetic3A_469 : vector<7x1x128xi32>
    %add3A_471 = arith.addi %select_n3A_464, %shift_right_arithmetic3A_470 : vector<7x1x128xi32>
    %ge3A_472 = vector.broadcast %add3A_471 : vector<7x1x128xi32> to vector<7x512x128xi32>
    %ge3A_473 = arith.cmpi sge, %stack3A_113, %ge3A_472 : vector<7x512x128xi32>
    %convert_element_type3A_474 = arith.extui %ge3A_473 : vector<7x512x128xi1> to vector<7x512x128xi32>
    %reduce_sum3A_475 = arith.constant dense<0> : vector<7x128xi32>
    %reduce_sum3A_476 = vector.multi_reduction <add>, %convert_element_type3A_474, %reduce_sum3A_475 [1] : vector<7x512x128xi32> to vector<7x128xi32>
    %broadcast_in_dim3A_477 = vector.shape_cast %reduce_sum3A_476 : vector<7x128xi32> to vector<7x1x128xi32>
    %ge3A_478 = arith.constant 51 : i32
    %ge3A_479 = vector.broadcast %ge3A_478 : i32 to vector<7x1x128xi32>
    %ge3A_480 = arith.cmpi sge, %broadcast_in_dim3A_477, %ge3A_479 : vector<7x1x128xi32>
    %select_n3A_481 = arith.select %ge3A_480, %add3A_471, %select_n3A_464 : vector<7x1x128xi1>, vector<7x1x128xi32>
    %select_n3A_482 = arith.select %ge3A_480, %select_n3A_465, %add3A_471 : vector<7x1x128xi1>, vector<7x1x128xi32>
    %scan3A_483 = arith.constant 22 : i32
    %sub3A_484 = arith.subi %select_n3A_482, %select_n3A_481 : vector<7x1x128xi32>
    %shift_right_arithmetic3A_485 = arith.constant 1 : i32
    %shift_right_arithmetic3A_486 = vector.broadcast %shift_right_arithmetic3A_485 : i32 to vector<7x1x128xi32>
    %shift_right_arithmetic3A_487 = arith.shrsi %sub3A_484, %shift_right_arithmetic3A_486 : vector<7x1x128xi32>
    %add3A_488 = arith.addi %select_n3A_481, %shift_right_arithmetic3A_487 : vector<7x1x128xi32>
    %ge3A_489 = vector.broadcast %add3A_488 : vector<7x1x128xi32> to vector<7x512x128xi32>
    %ge3A_490 = arith.cmpi sge, %stack3A_113, %ge3A_489 : vector<7x512x128xi32>
    %convert_element_type3A_491 = arith.extui %ge3A_490 : vector<7x512x128xi1> to vector<7x512x128xi32>
    %reduce_sum3A_492 = arith.constant dense<0> : vector<7x128xi32>
    %reduce_sum3A_493 = vector.multi_reduction <add>, %convert_element_type3A_491, %reduce_sum3A_492 [1] : vector<7x512x128xi32> to vector<7x128xi32>
    %broadcast_in_dim3A_494 = vector.shape_cast %reduce_sum3A_493 : vector<7x128xi32> to vector<7x1x128xi32>
    %ge3A_495 = arith.constant 51 : i32
    %ge3A_496 = vector.broadcast %ge3A_495 : i32 to vector<7x1x128xi32>
    %ge3A_497 = arith.cmpi sge, %broadcast_in_dim3A_494, %ge3A_496 : vector<7x1x128xi32>
    %select_n3A_498 = arith.select %ge3A_497, %add3A_488, %select_n3A_481 : vector<7x1x128xi1>, vector<7x1x128xi32>
    %select_n3A_499 = arith.select %ge3A_497, %select_n3A_482, %add3A_488 : vector<7x1x128xi1>, vector<7x1x128xi32>
    %scan3A_500 = arith.constant 23 : i32
    %sub3A_501 = arith.subi %select_n3A_499, %select_n3A_498 : vector<7x1x128xi32>
    %shift_right_arithmetic3A_502 = arith.constant 1 : i32
    %shift_right_arithmetic3A_503 = vector.broadcast %shift_right_arithmetic3A_502 : i32 to vector<7x1x128xi32>
    %shift_right_arithmetic3A_504 = arith.shrsi %sub3A_501, %shift_right_arithmetic3A_503 : vector<7x1x128xi32>
    %add3A_505 = arith.addi %select_n3A_498, %shift_right_arithmetic3A_504 : vector<7x1x128xi32>
    %ge3A_506 = vector.broadcast %add3A_505 : vector<7x1x128xi32> to vector<7x512x128xi32>
    %ge3A_507 = arith.cmpi sge, %stack3A_113, %ge3A_506 : vector<7x512x128xi32>
    %convert_element_type3A_508 = arith.extui %ge3A_507 : vector<7x512x128xi1> to vector<7x512x128xi32>
    %reduce_sum3A_509 = arith.constant dense<0> : vector<7x128xi32>
    %reduce_sum3A_510 = vector.multi_reduction <add>, %convert_element_type3A_508, %reduce_sum3A_509 [1] : vector<7x512x128xi32> to vector<7x128xi32>
    %broadcast_in_dim3A_511 = vector.shape_cast %reduce_sum3A_510 : vector<7x128xi32> to vector<7x1x128xi32>
    %ge3A_512 = arith.constant 51 : i32
    %ge3A_513 = vector.broadcast %ge3A_512 : i32 to vector<7x1x128xi32>
    %ge3A_514 = arith.cmpi sge, %broadcast_in_dim3A_511, %ge3A_513 : vector<7x1x128xi32>
    %select_n3A_515 = arith.select %ge3A_514, %add3A_505, %select_n3A_498 : vector<7x1x128xi1>, vector<7x1x128xi32>
    %select_n3A_516 = arith.select %ge3A_514, %select_n3A_499, %add3A_505 : vector<7x1x128xi1>, vector<7x1x128xi32>
    %scan3A_517 = arith.constant 24 : i32
    %sub3A_518 = arith.subi %select_n3A_516, %select_n3A_515 : vector<7x1x128xi32>
    %shift_right_arithmetic3A_519 = arith.constant 1 : i32
    %shift_right_arithmetic3A_520 = vector.broadcast %shift_right_arithmetic3A_519 : i32 to vector<7x1x128xi32>
    %shift_right_arithmetic3A_521 = arith.shrsi %sub3A_518, %shift_right_arithmetic3A_520 : vector<7x1x128xi32>
    %add3A_522 = arith.addi %select_n3A_515, %shift_right_arithmetic3A_521 : vector<7x1x128xi32>
    %ge3A_523 = vector.broadcast %add3A_522 : vector<7x1x128xi32> to vector<7x512x128xi32>
    %ge3A_524 = arith.cmpi sge, %stack3A_113, %ge3A_523 : vector<7x512x128xi32>
    %convert_element_type3A_525 = arith.extui %ge3A_524 : vector<7x512x128xi1> to vector<7x512x128xi32>
    %reduce_sum3A_526 = arith.constant dense<0> : vector<7x128xi32>
    %reduce_sum3A_527 = vector.multi_reduction <add>, %convert_element_type3A_525, %reduce_sum3A_526 [1] : vector<7x512x128xi32> to vector<7x128xi32>
    %broadcast_in_dim3A_528 = vector.shape_cast %reduce_sum3A_527 : vector<7x128xi32> to vector<7x1x128xi32>
    %ge3A_529 = arith.constant 51 : i32
    %ge3A_530 = vector.broadcast %ge3A_529 : i32 to vector<7x1x128xi32>
    %ge3A_531 = arith.cmpi sge, %broadcast_in_dim3A_528, %ge3A_530 : vector<7x1x128xi32>
    %select_n3A_532 = arith.select %ge3A_531, %add3A_522, %select_n3A_515 : vector<7x1x128xi1>, vector<7x1x128xi32>
    %select_n3A_533 = arith.select %ge3A_531, %select_n3A_516, %add3A_522 : vector<7x1x128xi1>, vector<7x1x128xi32>
    %scan3A_534 = arith.constant 25 : i32
    %sub3A_535 = arith.subi %select_n3A_533, %select_n3A_532 : vector<7x1x128xi32>
    %shift_right_arithmetic3A_536 = arith.constant 1 : i32
    %shift_right_arithmetic3A_537 = vector.broadcast %shift_right_arithmetic3A_536 : i32 to vector<7x1x128xi32>
    %shift_right_arithmetic3A_538 = arith.shrsi %sub3A_535, %shift_right_arithmetic3A_537 : vector<7x1x128xi32>
    %add3A_539 = arith.addi %select_n3A_532, %shift_right_arithmetic3A_538 : vector<7x1x128xi32>
    %ge3A_540 = vector.broadcast %add3A_539 : vector<7x1x128xi32> to vector<7x512x128xi32>
    %ge3A_541 = arith.cmpi sge, %stack3A_113, %ge3A_540 : vector<7x512x128xi32>
    %convert_element_type3A_542 = arith.extui %ge3A_541 : vector<7x512x128xi1> to vector<7x512x128xi32>
    %reduce_sum3A_543 = arith.constant dense<0> : vector<7x128xi32>
    %reduce_sum3A_544 = vector.multi_reduction <add>, %convert_element_type3A_542, %reduce_sum3A_543 [1] : vector<7x512x128xi32> to vector<7x128xi32>
    %broadcast_in_dim3A_545 = vector.shape_cast %reduce_sum3A_544 : vector<7x128xi32> to vector<7x1x128xi32>
    %ge3A_546 = arith.constant 51 : i32
    %ge3A_547 = vector.broadcast %ge3A_546 : i32 to vector<7x1x128xi32>
    %ge3A_548 = arith.cmpi sge, %broadcast_in_dim3A_545, %ge3A_547 : vector<7x1x128xi32>
    %select_n3A_549 = arith.select %ge3A_548, %add3A_539, %select_n3A_532 : vector<7x1x128xi1>, vector<7x1x128xi32>
    %select_n3A_550 = arith.select %ge3A_548, %select_n3A_533, %add3A_539 : vector<7x1x128xi1>, vector<7x1x128xi32>
    %scan3A_551 = arith.constant 26 : i32
    %sub3A_552 = arith.subi %select_n3A_550, %select_n3A_549 : vector<7x1x128xi32>
    %shift_right_arithmetic3A_553 = arith.constant 1 : i32
    %shift_right_arithmetic3A_554 = vector.broadcast %shift_right_arithmetic3A_553 : i32 to vector<7x1x128xi32>
    %shift_right_arithmetic3A_555 = arith.shrsi %sub3A_552, %shift_right_arithmetic3A_554 : vector<7x1x128xi32>
    %add3A_556 = arith.addi %select_n3A_549, %shift_right_arithmetic3A_555 : vector<7x1x128xi32>
    %ge3A_557 = vector.broadcast %add3A_556 : vector<7x1x128xi32> to vector<7x512x128xi32>
    %ge3A_558 = arith.cmpi sge, %stack3A_113, %ge3A_557 : vector<7x512x128xi32>
    %convert_element_type3A_559 = arith.extui %ge3A_558 : vector<7x512x128xi1> to vector<7x512x128xi32>
    %reduce_sum3A_560 = arith.constant dense<0> : vector<7x128xi32>
    %reduce_sum3A_561 = vector.multi_reduction <add>, %convert_element_type3A_559, %reduce_sum3A_560 [1] : vector<7x512x128xi32> to vector<7x128xi32>
    %broadcast_in_dim3A_562 = vector.shape_cast %reduce_sum3A_561 : vector<7x128xi32> to vector<7x1x128xi32>
    %ge3A_563 = arith.constant 51 : i32
    %ge3A_564 = vector.broadcast %ge3A_563 : i32 to vector<7x1x128xi32>
    %ge3A_565 = arith.cmpi sge, %broadcast_in_dim3A_562, %ge3A_564 : vector<7x1x128xi32>
    %select_n3A_566 = arith.select %ge3A_565, %add3A_556, %select_n3A_549 : vector<7x1x128xi1>, vector<7x1x128xi32>
    %select_n3A_567 = arith.select %ge3A_565, %select_n3A_550, %add3A_556 : vector<7x1x128xi1>, vector<7x1x128xi32>
    %scan3A_568 = arith.constant 27 : i32
    %sub3A_569 = arith.subi %select_n3A_567, %select_n3A_566 : vector<7x1x128xi32>
    %shift_right_arithmetic3A_570 = arith.constant 1 : i32
    %shift_right_arithmetic3A_571 = vector.broadcast %shift_right_arithmetic3A_570 : i32 to vector<7x1x128xi32>
    %shift_right_arithmetic3A_572 = arith.shrsi %sub3A_569, %shift_right_arithmetic3A_571 : vector<7x1x128xi32>
    %add3A_573 = arith.addi %select_n3A_566, %shift_right_arithmetic3A_572 : vector<7x1x128xi32>
    %ge3A_574 = vector.broadcast %add3A_573 : vector<7x1x128xi32> to vector<7x512x128xi32>
    %ge3A_575 = arith.cmpi sge, %stack3A_113, %ge3A_574 : vector<7x512x128xi32>
    %convert_element_type3A_576 = arith.extui %ge3A_575 : vector<7x512x128xi1> to vector<7x512x128xi32>
    %reduce_sum3A_577 = arith.constant dense<0> : vector<7x128xi32>
    %reduce_sum3A_578 = vector.multi_reduction <add>, %convert_element_type3A_576, %reduce_sum3A_577 [1] : vector<7x512x128xi32> to vector<7x128xi32>
    %broadcast_in_dim3A_579 = vector.shape_cast %reduce_sum3A_578 : vector<7x128xi32> to vector<7x1x128xi32>
    %ge3A_580 = arith.constant 51 : i32
    %ge3A_581 = vector.broadcast %ge3A_580 : i32 to vector<7x1x128xi32>
    %ge3A_582 = arith.cmpi sge, %broadcast_in_dim3A_579, %ge3A_581 : vector<7x1x128xi32>
    %select_n3A_583 = arith.select %ge3A_582, %add3A_573, %select_n3A_566 : vector<7x1x128xi1>, vector<7x1x128xi32>
    %select_n3A_584 = arith.select %ge3A_582, %select_n3A_567, %add3A_573 : vector<7x1x128xi1>, vector<7x1x128xi32>
    %scan3A_585 = arith.constant 28 : i32
    %sub3A_586 = arith.subi %select_n3A_584, %select_n3A_583 : vector<7x1x128xi32>
    %shift_right_arithmetic3A_587 = arith.constant 1 : i32
    %shift_right_arithmetic3A_588 = vector.broadcast %shift_right_arithmetic3A_587 : i32 to vector<7x1x128xi32>
    %shift_right_arithmetic3A_589 = arith.shrsi %sub3A_586, %shift_right_arithmetic3A_588 : vector<7x1x128xi32>
    %add3A_590 = arith.addi %select_n3A_583, %shift_right_arithmetic3A_589 : vector<7x1x128xi32>
    %ge3A_591 = vector.broadcast %add3A_590 : vector<7x1x128xi32> to vector<7x512x128xi32>
    %ge3A_592 = arith.cmpi sge, %stack3A_113, %ge3A_591 : vector<7x512x128xi32>
    %convert_element_type3A_593 = arith.extui %ge3A_592 : vector<7x512x128xi1> to vector<7x512x128xi32>
    %reduce_sum3A_594 = arith.constant dense<0> : vector<7x128xi32>
    %reduce_sum3A_595 = vector.multi_reduction <add>, %convert_element_type3A_593, %reduce_sum3A_594 [1] : vector<7x512x128xi32> to vector<7x128xi32>
    %broadcast_in_dim3A_596 = vector.shape_cast %reduce_sum3A_595 : vector<7x128xi32> to vector<7x1x128xi32>
    %ge3A_597 = arith.constant 51 : i32
    %ge3A_598 = vector.broadcast %ge3A_597 : i32 to vector<7x1x128xi32>
    %ge3A_599 = arith.cmpi sge, %broadcast_in_dim3A_596, %ge3A_598 : vector<7x1x128xi32>
    %select_n3A_600 = arith.select %ge3A_599, %add3A_590, %select_n3A_583 : vector<7x1x128xi1>, vector<7x1x128xi32>
    %select_n3A_601 = arith.select %ge3A_599, %select_n3A_584, %add3A_590 : vector<7x1x128xi1>, vector<7x1x128xi32>
    %scan3A_602 = arith.constant 29 : i32
    %sub3A_603 = arith.subi %select_n3A_601, %select_n3A_600 : vector<7x1x128xi32>
    %shift_right_arithmetic3A_604 = arith.constant 1 : i32
    %shift_right_arithmetic3A_605 = vector.broadcast %shift_right_arithmetic3A_604 : i32 to vector<7x1x128xi32>
    %shift_right_arithmetic3A_606 = arith.shrsi %sub3A_603, %shift_right_arithmetic3A_605 : vector<7x1x128xi32>
    %add3A_607 = arith.addi %select_n3A_600, %shift_right_arithmetic3A_606 : vector<7x1x128xi32>
    %ge3A_608 = vector.broadcast %add3A_607 : vector<7x1x128xi32> to vector<7x512x128xi32>
    %ge3A_609 = arith.cmpi sge, %stack3A_113, %ge3A_608 : vector<7x512x128xi32>
    %convert_element_type3A_610 = arith.extui %ge3A_609 : vector<7x512x128xi1> to vector<7x512x128xi32>
    %reduce_sum3A_611 = arith.constant dense<0> : vector<7x128xi32>
    %reduce_sum3A_612 = vector.multi_reduction <add>, %convert_element_type3A_610, %reduce_sum3A_611 [1] : vector<7x512x128xi32> to vector<7x128xi32>
    %broadcast_in_dim3A_613 = vector.shape_cast %reduce_sum3A_612 : vector<7x128xi32> to vector<7x1x128xi32>
    %ge3A_614 = arith.constant 51 : i32
    %ge3A_615 = vector.broadcast %ge3A_614 : i32 to vector<7x1x128xi32>
    %ge3A_616 = arith.cmpi sge, %broadcast_in_dim3A_613, %ge3A_615 : vector<7x1x128xi32>
    %select_n3A_617 = arith.select %ge3A_616, %add3A_607, %select_n3A_600 : vector<7x1x128xi1>, vector<7x1x128xi32>
    %select_n3A_618 = arith.select %ge3A_616, %select_n3A_601, %add3A_607 : vector<7x1x128xi1>, vector<7x1x128xi32>
    %scan3A_619 = arith.constant 30 : i32
    %sub3A_620 = arith.subi %select_n3A_618, %select_n3A_617 : vector<7x1x128xi32>
    %shift_right_arithmetic3A_621 = arith.constant 1 : i32
    %shift_right_arithmetic3A_622 = vector.broadcast %shift_right_arithmetic3A_621 : i32 to vector<7x1x128xi32>
    %shift_right_arithmetic3A_623 = arith.shrsi %sub3A_620, %shift_right_arithmetic3A_622 : vector<7x1x128xi32>
    %add3A_624 = arith.addi %select_n3A_617, %shift_right_arithmetic3A_623 : vector<7x1x128xi32>
    %ge3A_625 = vector.broadcast %add3A_624 : vector<7x1x128xi32> to vector<7x512x128xi32>
    %ge3A_626 = arith.cmpi sge, %stack3A_113, %ge3A_625 : vector<7x512x128xi32>
    %convert_element_type3A_627 = arith.extui %ge3A_626 : vector<7x512x128xi1> to vector<7x512x128xi32>
    %reduce_sum3A_628 = arith.constant dense<0> : vector<7x128xi32>
    %reduce_sum3A_629 = vector.multi_reduction <add>, %convert_element_type3A_627, %reduce_sum3A_628 [1] : vector<7x512x128xi32> to vector<7x128xi32>
    %broadcast_in_dim3A_630 = vector.shape_cast %reduce_sum3A_629 : vector<7x128xi32> to vector<7x1x128xi32>
    %ge3A_631 = arith.constant 51 : i32
    %ge3A_632 = vector.broadcast %ge3A_631 : i32 to vector<7x1x128xi32>
    %ge3A_633 = arith.cmpi sge, %broadcast_in_dim3A_630, %ge3A_632 : vector<7x1x128xi32>
    %select_n3A_634 = arith.select %ge3A_633, %add3A_624, %select_n3A_617 : vector<7x1x128xi1>, vector<7x1x128xi32>
    %select_n3A_635 = arith.select %ge3A_633, %select_n3A_618, %add3A_624 : vector<7x1x128xi1>, vector<7x1x128xi32>
    %slice3A = vector.extract_strided_slice %select_n3A_634 {offsets = [0, 0, 0], sizes = [1, 1, 128], strides = [1, 1, 1]} : vector<7x1x128xi32> to vector<1x1x128xi32>
    %squeeze3A = vector.shape_cast %slice3A : vector<1x1x128xi32> to vector<1x128xi32>
    %ge3A_636 = vector.broadcast %squeeze3A : vector<1x128xi32> to vector<512x128xi32>
    %ge3A_637 = arith.cmpi sge, %bitcast_convert_type3A, %ge3A_636 : vector<512x128xi32>
    %jit3A = arith.constant 0.000000e+00 : f32
    %broadcast_in_dim3A_638 = vector.broadcast %jit3A : f32 to vector<512x128xf32>
    %select_n3A_639 = arith.select %ge3A_637, %mul3A, %broadcast_in_dim3A_638 : vector<512x128xi1>, vector<512x128xf32>
    %slice3A_640 = vector.extract_strided_slice %select_n3A_639 {offsets = [0, 0], sizes = [512, 16], strides = [1, 1]} : vector<512x128xf32> to vector<512x16xf32>
    %get3A_641 = arith.constant 0 : index
    %get3A_642 = arith.constant 0 : index
    %get3A_643 = arith.constant 0 : index
    %get3A_644 = vector.load %arg3[%get3A_641, %get3A_642, %get3A_643] : memref<1x56x16xf32, #tpu.memory_space<vmem>>, vector<1x1x16xf32>
    %get3A_645 = vector.shape_cast %get3A_644 : vector<1x1x16xf32> to vector<1x16xf32>
    %mul3A_646 = vector.broadcast %get3A_645 : vector<1x16xf32> to vector<512x16xf32>
    %mul3A_647 = arith.mulf %slice3A_640, %mul3A_646 : vector<512x16xf32>
    %swap3A = arith.constant 0 : index
    %swap3A_648 = arith.constant 0 : index
    %swap3A_649 = arith.constant 0 : index
    %swap3A_650 = arith.constant 0 : index
    %swap3A_651 = vector.load %arg5[%swap3A, %swap3A_648, %swap3A_649, %swap3A_650] : memref<1x56x512x16xf32, #tpu.memory_space<vmem>>, vector<1x1x512x16xf32>
    %swap3A_652 = vector.shape_cast %swap3A_651 : vector<1x1x512x16xf32> to vector<512x16xf32>
    %swap3A_653 = vector.shape_cast %mul3A_647 : vector<512x16xf32> to vector<1x1x512x16xf32>
    tpu.vector_store %arg5[%swap3A, %swap3A_648, %swap3A_649, %swap3A_650], %swap3A_653 {strides = array<i32>} : memref<1x56x512x16xf32, #tpu.memory_space<vmem>>, vector<1x1x512x16xf32>,
    %slice3A_654 = vector.extract_strided_slice %select_n3A_639 {offsets = [0, 16], sizes = [512, 16], strides = [1, 1]} : vector<512x128xf32> to vector<512x16xf32>
    %get3A_655 = arith.constant 0 : index
    %get3A_656 = arith.constant 1 : index
    %get3A_657 = arith.constant 0 : index
    %get3A_658 = vector.load %arg3[%get3A_655, %get3A_656, %get3A_657] : memref<1x56x16xf32, #tpu.memory_space<vmem>>, vector<1x1x16xf32>
    %get3A_659 = vector.shape_cast %get3A_658 : vector<1x1x16xf32> to vector<1x16xf32>
    %mul3A_660 = vector.broadcast %get3A_659 : vector<1x16xf32> to vector<512x16xf32>
    %mul3A_661 = arith.mulf %slice3A_654, %mul3A_660 : vector<512x16xf32>
    %swap3A_662 = arith.constant 0 : index
    %swap3A_663 = arith.constant 1 : index
    %swap3A_664 = arith.constant 0 : index
    %swap3A_665 = arith.constant 0 : index
    %swap3A_666 = vector.load %arg5[%swap3A_662, %swap3A_663, %swap3A_664, %swap3A_665] : memref<1x56x512x16xf32, #tpu.memory_space<vmem>>, vector<1x1x512x16xf32>
    %swap3A_667 = vector.shape_cast %swap3A_666 : vector<1x1x512x16xf32> to vector<512x16xf32>
    %swap3A_668 = vector.shape_cast %mul3A_661 : vector<512x16xf32> to vector<1x1x512x16xf32>
    tpu.vector_store %arg5[%swap3A_662, %swap3A_663, %swap3A_664, %swap3A_665], %swap3A_668 {strides = array<i32>} : memref<1x56x512x16xf32, #tpu.memory_space<vmem>>, vector<1x1x512x16xf32>,
    %slice3A_669 = vector.extract_strided_slice %select_n3A_639 {offsets = [0, 32], sizes = [512, 16], strides = [1, 1]} : vector<512x128xf32> to vector<512x16xf32>
    %get3A_670 = arith.constant 0 : index
    %get3A_671 = arith.constant 2 : index
    %get3A_672 = arith.constant 0 : index
    %get3A_673 = vector.load %arg3[%get3A_670, %get3A_671, %get3A_672] : memref<1x56x16xf32, #tpu.memory_space<vmem>>, vector<1x1x16xf32>
    %get3A_674 = vector.shape_cast %get3A_673 : vector<1x1x16xf32> to vector<1x16xf32>
    %mul3A_675 = vector.broadcast %get3A_674 : vector<1x16xf32> to vector<512x16xf32>
    %mul3A_676 = arith.mulf %slice3A_669, %mul3A_675 : vector<512x16xf32>
    %swap3A_677 = arith.constant 0 : index
    %swap3A_678 = arith.constant 2 : index
    %swap3A_679 = arith.constant 0 : index
    %swap3A_680 = arith.constant 0 : index
    %swap3A_681 = vector.load %arg5[%swap3A_677, %swap3A_678, %swap3A_679, %swap3A_680] : memref<1x56x512x16xf32, #tpu.memory_space<vmem>>, vector<1x1x512x16xf32>
    %swap3A_682 = vector.shape_cast %swap3A_681 : vector<1x1x512x16xf32> to vector<512x16xf32>
    %swap3A_683 = vector.shape_cast %mul3A_676 : vector<512x16xf32> to vector<1x1x512x16xf32>
    tpu.vector_store %arg5[%swap3A_677, %swap3A_678, %swap3A_679, %swap3A_680], %swap3A_683 {strides = array<i32>} : memref<1x56x512x16xf32, #tpu.memory_space<vmem>>, vector<1x1x512x16xf32>,
    %slice3A_684 = vector.extract_strided_slice %select_n3A_639 {offsets = [0, 48], sizes = [512, 16], strides = [1, 1]} : vector<512x128xf32> to vector<512x16xf32>
    %get3A_685 = arith.constant 0 : index
    %get3A_686 = arith.constant 3 : index
    %get3A_687 = arith.constant 0 : index
    %get3A_688 = vector.load %arg3[%get3A_685, %get3A_686, %get3A_687] : memref<1x56x16xf32, #tpu.memory_space<vmem>>, vector<1x1x16xf32>
    %get3A_689 = vector.shape_cast %get3A_688 : vector<1x1x16xf32> to vector<1x16xf32>
    %mul3A_690 = vector.broadcast %get3A_689 : vector<1x16xf32> to vector<512x16xf32>
    %mul3A_691 = arith.mulf %slice3A_684, %mul3A_690 : vector<512x16xf32>
    %swap3A_692 = arith.constant 0 : index
    %swap3A_693 = arith.constant 3 : index
    %swap3A_694 = arith.constant 0 : index
    %swap3A_695 = arith.constant 0 : index
    %swap3A_696 = vector.load %arg5[%swap3A_692, %swap3A_693, %swap3A_694, %swap3A_695] : memref<1x56x512x16xf32, #tpu.memory_space<vmem>>, vector<1x1x512x16xf32>
    %swap3A_697 = vector.shape_cast %swap3A_696 : vector<1x1x512x16xf32> to vector<512x16xf32>
    %swap3A_698 = vector.shape_cast %mul3A_691 : vector<512x16xf32> to vector<1x1x512x16xf32>
    tpu.vector_store %arg5[%swap3A_692, %swap3A_693, %swap3A_694, %swap3A_695], %swap3A_698 {strides = array<i32>} : memref<1x56x512x16xf32, #tpu.memory_space<vmem>>, vector<1x1x512x16xf32>,
    %slice3A_699 = vector.extract_strided_slice %select_n3A_639 {offsets = [0, 64], sizes = [512, 16], strides = [1, 1]} : vector<512x128xf32> to vector<512x16xf32>
    %get3A_700 = arith.constant 0 : index
    %get3A_701 = arith.constant 4 : index
    %get3A_702 = arith.constant 0 : index
    %get3A_703 = vector.load %arg3[%get3A_700, %get3A_701, %get3A_702] : memref<1x56x16xf32, #tpu.memory_space<vmem>>, vector<1x1x16xf32>
    %get3A_704 = vector.shape_cast %get3A_703 : vector<1x1x16xf32> to vector<1x16xf32>
    %mul3A_705 = vector.broadcast %get3A_704 : vector<1x16xf32> to vector<512x16xf32>
    %mul3A_706 = arith.mulf %slice3A_699, %mul3A_705 : vector<512x16xf32>
    %swap3A_707 = arith.constant 0 : index
    %swap3A_708 = arith.constant 4 : index
    %swap3A_709 = arith.constant 0 : index
    %swap3A_710 = arith.constant 0 : index
    %swap3A_711 = vector.load %arg5[%swap3A_707, %swap3A_708, %swap3A_709, %swap3A_710] : memref<1x56x512x16xf32, #tpu.memory_space<vmem>>, vector<1x1x512x16xf32>
    %swap3A_712 = vector.shape_cast %swap3A_711 : vector<1x1x512x16xf32> to vector<512x16xf32>
    %swap3A_713 = vector.shape_cast %mul3A_706 : vector<512x16xf32> to vector<1x1x512x16xf32>
    tpu.vector_store %arg5[%swap3A_707, %swap3A_708, %swap3A_709, %swap3A_710], %swap3A_713 {strides = array<i32>} : memref<1x56x512x16xf32, #tpu.memory_space<vmem>>, vector<1x1x512x16xf32>,
    %slice3A_714 = vector.extract_strided_slice %select_n3A_639 {offsets = [0, 80], sizes = [512, 16], strides = [1, 1]} : vector<512x128xf32> to vector<512x16xf32>
    %get3A_715 = arith.constant 0 : index
    %get3A_716 = arith.constant 5 : index
    %get3A_717 = arith.constant 0 : index
    %get3A_718 = vector.load %arg3[%get3A_715, %get3A_716, %get3A_717] : memref<1x56x16xf32, #tpu.memory_space<vmem>>, vector<1x1x16xf32>
    %get3A_719 = vector.shape_cast %get3A_718 : vector<1x1x16xf32> to vector<1x16xf32>
    %mul3A_720 = vector.broadcast %get3A_719 : vector<1x16xf32> to vector<512x16xf32>
    %mul3A_721 = arith.mulf %slice3A_714, %mul3A_720 : vector<512x16xf32>
    %swap3A_722 = arith.constant 0 : index
    %swap3A_723 = arith.constant 5 : index
    %swap3A_724 = arith.constant 0 : index
    %swap3A_725 = arith.constant 0 : index
    %swap3A_726 = vector.load %arg5[%swap3A_722, %swap3A_723, %swap3A_724, %swap3A_725] : memref<1x56x512x16xf32, #tpu.memory_space<vmem>>, vector<1x1x512x16xf32>
    %swap3A_727 = vector.shape_cast %swap3A_726 : vector<1x1x512x16xf32> to vector<512x16xf32>
    %swap3A_728 = vector.shape_cast %mul3A_721 : vector<512x16xf32> to vector<1x1x512x16xf32>
    tpu.vector_store %arg5[%swap3A_722, %swap3A_723, %swap3A_724, %swap3A_725], %swap3A_728 {strides = array<i32>} : memref<1x56x512x16xf32, #tpu.memory_space<vmem>>, vector<1x1x512x16xf32>,
    %slice3A_729 = vector.extract_strided_slice %select_n3A_639 {offsets = [0, 96], sizes = [512, 16], strides = [1, 1]} : vector<512x128xf32> to vector<512x16xf32>
    %get3A_730 = arith.constant 0 : index
    %get3A_731 = arith.constant 6 : index
    %get3A_732 = arith.constant 0 : index
    %get3A_733 = vector.load %arg3[%get3A_730, %get3A_731, %get3A_732] : memref<1x56x16xf32, #tpu.memory_space<vmem>>, vector<1x1x16xf32>
    %get3A_734 = vector.shape_cast %get3A_733 : vector<1x1x16xf32> to vector<1x16xf32>
    %mul3A_735 = vector.broadcast %get3A_734 : vector<1x16xf32> to vector<512x16xf32>
    %mul3A_736 = arith.mulf %slice3A_729, %mul3A_735 : vector<512x16xf32>
    %swap3A_737 = arith.constant 0 : index
    %swap3A_738 = arith.constant 6 : index
    %swap3A_739 = arith.constant 0 : index
    %swap3A_740 = arith.constant 0 : index
    %swap3A_741 = vector.load %arg5[%swap3A_737, %swap3A_738, %swap3A_739, %swap3A_740] : memref<1x56x512x16xf32, #tpu.memory_space<vmem>>, vector<1x1x512x16xf32>
    %swap3A_742 = vector.shape_cast %swap3A_741 : vector<1x1x512x16xf32> to vector<512x16xf32>
    %swap3A_743 = vector.shape_cast %mul3A_736 : vector<512x16xf32> to vector<1x1x512x16xf32>
    tpu.vector_store %arg5[%swap3A_737, %swap3A_738, %swap3A_739, %swap3A_740], %swap3A_743 {strides = array<i32>} : memref<1x56x512x16xf32, #tpu.memory_space<vmem>>, vector<1x1x512x16xf32>,
    %slice3A_744 = vector.extract_strided_slice %select_n3A_639 {offsets = [0, 112], sizes = [512, 16], strides = [1, 1]} : vector<512x128xf32> to vector<512x16xf32>
    %get3A_745 = arith.constant 0 : index
    %get3A_746 = arith.constant 7 : index
    %get3A_747 = arith.constant 0 : index
    %get3A_748 = vector.load %arg3[%get3A_745, %get3A_746, %get3A_747] : memref<1x56x16xf32, #tpu.memory_space<vmem>>, vector<1x1x16xf32>
    %get3A_749 = vector.shape_cast %get3A_748 : vector<1x1x16xf32> to vector<1x16xf32>
    %mul3A_750 = vector.broadcast %get3A_749 : vector<1x16xf32> to vector<512x16xf32>
    %mul3A_751 = arith.mulf %slice3A_744, %mul3A_750 : vector<512x16xf32>
    %swap3A_752 = arith.constant 0 : index
    %swap3A_753 = arith.constant 7 : index
    %swap3A_754 = arith.constant 0 : index
    %swap3A_755 = arith.constant 0 : index
    %swap3A_756 = vector.load %arg5[%swap3A_752, %swap3A_753, %swap3A_754, %swap3A_755] : memref<1x56x512x16xf32, #tpu.memory_space<vmem>>, vector<1x1x512x16xf32>
    %swap3A_757 = vector.shape_cast %swap3A_756 : vector<1x1x512x16xf32> to vector<512x16xf32>
    %swap3A_758 = vector.shape_cast %mul3A_751 : vector<512x16xf32> to vector<1x1x512x16xf32>
    tpu.vector_store %arg5[%swap3A_752, %swap3A_753, %swap3A_754, %swap3A_755], %swap3A_758 {strides = array<i32>} : memref<1x56x512x16xf32, #tpu.memory_space<vmem>>, vector<1x1x512x16xf32>,
    %slice3A_759 = vector.extract_strided_slice %select_n3A_634 {offsets = [1, 0, 0], sizes = [1, 1, 128], strides = [1, 1, 1]} : vector<7x1x128xi32> to vector<1x1x128xi32>
    %squeeze3A_760 = vector.shape_cast %slice3A_759 : vector<1x1x128xi32> to vector<1x128xi32>
    %ge3A_761 = vector.broadcast %squeeze3A_760 : vector<1x128xi32> to vector<512x128xi32>
    %ge3A_762 = arith.cmpi sge, %bitcast_convert_type3A_26, %ge3A_761 : vector<512x128xi32>
    %jit3A_763 = arith.constant 0.000000e+00 : f32
    %broadcast_in_dim3A_764 = vector.broadcast %jit3A_763 : f32 to vector<512x128xf32>
    %select_n3A_765 = arith.select %ge3A_762, %mul3A_24, %broadcast_in_dim3A_764 : vector<512x128xi1>, vector<512x128xf32>
    %slice3A_766 = vector.extract_strided_slice %select_n3A_765 {offsets = [0, 0], sizes = [512, 16], strides = [1, 1]} : vector<512x128xf32> to vector<512x16xf32>
    %get3A_767 = arith.constant 0 : index
    %get3A_768 = arith.constant 8 : index
    %get3A_769 = arith.constant 0 : index
    %get3A_770 = vector.load %arg3[%get3A_767, %get3A_768, %get3A_769] : memref<1x56x16xf32, #tpu.memory_space<vmem>>, vector<1x1x16xf32>
    %get3A_771 = vector.shape_cast %get3A_770 : vector<1x1x16xf32> to vector<1x16xf32>
    %mul3A_772 = vector.broadcast %get3A_771 : vector<1x16xf32> to vector<512x16xf32>
    %mul3A_773 = arith.mulf %slice3A_766, %mul3A_772 : vector<512x16xf32>
    %swap3A_774 = arith.constant 0 : index
    %swap3A_775 = arith.constant 8 : index
    %swap3A_776 = arith.constant 0 : index
    %swap3A_777 = arith.constant 0 : index
    %swap3A_778 = vector.load %arg5[%swap3A_774, %swap3A_775, %swap3A_776, %swap3A_777] : memref<1x56x512x16xf32, #tpu.memory_space<vmem>>, vector<1x1x512x16xf32>
    %swap3A_779 = vector.shape_cast %swap3A_778 : vector<1x1x512x16xf32> to vector<512x16xf32>
    %swap3A_780 = vector.shape_cast %mul3A_773 : vector<512x16xf32> to vector<1x1x512x16xf32>
    tpu.vector_store %arg5[%swap3A_774, %swap3A_775, %swap3A_776, %swap3A_777], %swap3A_780 {strides = array<i32>} : memref<1x56x512x16xf32, #tpu.memory_space<vmem>>, vector<1x1x512x16xf32>,
    %slice3A_781 = vector.extract_strided_slice %select_n3A_765 {offsets = [0, 16], sizes = [512, 16], strides = [1, 1]} : vector<512x128xf32> to vector<512x16xf32>
    %get3A_782 = arith.constant 0 : index
    %get3A_783 = arith.constant 9 : index
    %get3A_784 = arith.constant 0 : index
    %get3A_785 = vector.load %arg3[%get3A_782, %get3A_783, %get3A_784] : memref<1x56x16xf32, #tpu.memory_space<vmem>>, vector<1x1x16xf32>
    %get3A_786 = vector.shape_cast %get3A_785 : vector<1x1x16xf32> to vector<1x16xf32>
    %mul3A_787 = vector.broadcast %get3A_786 : vector<1x16xf32> to vector<512x16xf32>
    %mul3A_788 = arith.mulf %slice3A_781, %mul3A_787 : vector<512x16xf32>
    %swap3A_789 = arith.constant 0 : index
    %swap3A_790 = arith.constant 9 : index
    %swap3A_791 = arith.constant 0 : index
    %swap3A_792 = arith.constant 0 : index
    %swap3A_793 = vector.load %arg5[%swap3A_789, %swap3A_790, %swap3A_791, %swap3A_792] : memref<1x56x512x16xf32, #tpu.memory_space<vmem>>, vector<1x1x512x16xf32>
    %swap3A_794 = vector.shape_cast %swap3A_793 : vector<1x1x512x16xf32> to vector<512x16xf32>
    %swap3A_795 = vector.shape_cast %mul3A_788 : vector<512x16xf32> to vector<1x1x512x16xf32>
    tpu.vector_store %arg5[%swap3A_789, %swap3A_790, %swap3A_791, %swap3A_792], %swap3A_795 {strides = array<i32>} : memref<1x56x512x16xf32, #tpu.memory_space<vmem>>, vector<1x1x512x16xf32>,
    %slice3A_796 = vector.extract_strided_slice %select_n3A_765 {offsets = [0, 32], sizes = [512, 16], strides = [1, 1]} : vector<512x128xf32> to vector<512x16xf32>
    %get3A_797 = arith.constant 0 : index
    %get3A_798 = arith.constant 10 : index
    %get3A_799 = arith.constant 0 : index
    %get3A_800 = vector.load %arg3[%get3A_797, %get3A_798, %get3A_799] : memref<1x56x16xf32, #tpu.memory_space<vmem>>, vector<1x1x16xf32>
    %get3A_801 = vector.shape_cast %get3A_800 : vector<1x1x16xf32> to vector<1x16xf32>
    %mul3A_802 = vector.broadcast %get3A_801 : vector<1x16xf32> to vector<512x16xf32>
    %mul3A_803 = arith.mulf %slice3A_796, %mul3A_802 : vector<512x16xf32>
    %swap3A_804 = arith.constant 0 : index
    %swap3A_805 = arith.constant 10 : index
    %swap3A_806 = arith.constant 0 : index
    %swap3A_807 = arith.constant 0 : index
    %swap3A_808 = vector.load %arg5[%swap3A_804, %swap3A_805, %swap3A_806, %swap3A_807] : memref<1x56x512x16xf32, #tpu.memory_space<vmem>>, vector<1x1x512x16xf32>
    %swap3A_809 = vector.shape_cast %swap3A_808 : vector<1x1x512x16xf32> to vector<512x16xf32>
    %swap3A_810 = vector.shape_cast %mul3A_803 : vector<512x16xf32> to vector<1x1x512x16xf32>
    tpu.vector_store %arg5[%swap3A_804, %swap3A_805, %swap3A_806, %swap3A_807], %swap3A_810 {strides = array<i32>} : memref<1x56x512x16xf32, #tpu.memory_space<vmem>>, vector<1x1x512x16xf32>,
    %slice3A_811 = vector.extract_strided_slice %select_n3A_765 {offsets = [0, 48], sizes = [512, 16], strides = [1, 1]} : vector<512x128xf32> to vector<512x16xf32>
    %get3A_812 = arith.constant 0 : index
    %get3A_813 = arith.constant 11 : index
    %get3A_814 = arith.constant 0 : index
    %get3A_815 = vector.load %arg3[%get3A_812, %get3A_813, %get3A_814] : memref<1x56x16xf32, #tpu.memory_space<vmem>>, vector<1x1x16xf32>
    %get3A_816 = vector.shape_cast %get3A_815 : vector<1x1x16xf32> to vector<1x16xf32>
    %mul3A_817 = vector.broadcast %get3A_816 : vector<1x16xf32> to vector<512x16xf32>
    %mul3A_818 = arith.mulf %slice3A_811, %mul3A_817 : vector<512x16xf32>
    %swap3A_819 = arith.constant 0 : index
    %swap3A_820 = arith.constant 11 : index
    %swap3A_821 = arith.constant 0 : index
    %swap3A_822 = arith.constant 0 : index
    %swap3A_823 = vector.load %arg5[%swap3A_819, %swap3A_820, %swap3A_821, %swap3A_822] : memref<1x56x512x16xf32, #tpu.memory_space<vmem>>, vector<1x1x512x16xf32>
    %swap3A_824 = vector.shape_cast %swap3A_823 : vector<1x1x512x16xf32> to vector<512x16xf32>
    %swap3A_825 = vector.shape_cast %mul3A_818 : vector<512x16xf32> to vector<1x1x512x16xf32>
    tpu.vector_store %arg5[%swap3A_819, %swap3A_820, %swap3A_821, %swap3A_822], %swap3A_825 {strides = array<i32>} : memref<1x56x512x16xf32, #tpu.memory_space<vmem>>, vector<1x1x512x16xf32>,
    %slice3A_826 = vector.extract_strided_slice %select_n3A_765 {offsets = [0, 64], sizes = [512, 16], strides = [1, 1]} : vector<512x128xf32> to vector<512x16xf32>
    %get3A_827 = arith.constant 0 : index
    %get3A_828 = arith.constant 12 : index
    %get3A_829 = arith.constant 0 : index
    %get3A_830 = vector.load %arg3[%get3A_827, %get3A_828, %get3A_829] : memref<1x56x16xf32, #tpu.memory_space<vmem>>, vector<1x1x16xf32>
    %get3A_831 = vector.shape_cast %get3A_830 : vector<1x1x16xf32> to vector<1x16xf32>
    %mul3A_832 = vector.broadcast %get3A_831 : vector<1x16xf32> to vector<512x16xf32>
    %mul3A_833 = arith.mulf %slice3A_826, %mul3A_832 : vector<512x16xf32>
    %swap3A_834 = arith.constant 0 : index
    %swap3A_835 = arith.constant 12 : index
    %swap3A_836 = arith.constant 0 : index
    %swap3A_837 = arith.constant 0 : index
    %swap3A_838 = vector.load %arg5[%swap3A_834, %swap3A_835, %swap3A_836, %swap3A_837] : memref<1x56x512x16xf32, #tpu.memory_space<vmem>>, vector<1x1x512x16xf32>
    %swap3A_839 = vector.shape_cast %swap3A_838 : vector<1x1x512x16xf32> to vector<512x16xf32>
    %swap3A_840 = vector.shape_cast %mul3A_833 : vector<512x16xf32> to vector<1x1x512x16xf32>
    tpu.vector_store %arg5[%swap3A_834, %swap3A_835, %swap3A_836, %swap3A_837], %swap3A_840 {strides = array<i32>} : memref<1x56x512x16xf32, #tpu.memory_space<vmem>>, vector<1x1x512x16xf32>,
    %slice3A_841 = vector.extract_strided_slice %select_n3A_765 {offsets = [0, 80], sizes = [512, 16], strides = [1, 1]} : vector<512x128xf32> to vector<512x16xf32>
    %get3A_842 = arith.constant 0 : index
    %get3A_843 = arith.constant 13 : index
    %get3A_844 = arith.constant 0 : index
    %get3A_845 = vector.load %arg3[%get3A_842, %get3A_843, %get3A_844] : memref<1x56x16xf32, #tpu.memory_space<vmem>>, vector<1x1x16xf32>
    %get3A_846 = vector.shape_cast %get3A_845 : vector<1x1x16xf32> to vector<1x16xf32>
    %mul3A_847 = vector.broadcast %get3A_846 : vector<1x16xf32> to vector<512x16xf32>
    %mul3A_848 = arith.mulf %slice3A_841, %mul3A_847 : vector<512x16xf32>
    %swap3A_849 = arith.constant 0 : index
    %swap3A_850 = arith.constant 13 : index
    %swap3A_851 = arith.constant 0 : index
    %swap3A_852 = arith.constant 0 : index
    %swap3A_853 = vector.load %arg5[%swap3A_849, %swap3A_850, %swap3A_851, %swap3A_852] : memref<1x56x512x16xf32, #tpu.memory_space<vmem>>, vector<1x1x512x16xf32>
    %swap3A_854 = vector.shape_cast %swap3A_853 : vector<1x1x512x16xf32> to vector<512x16xf32>
    %swap3A_855 = vector.shape_cast %mul3A_848 : vector<512x16xf32> to vector<1x1x512x16xf32>
    tpu.vector_store %arg5[%swap3A_849, %swap3A_850, %swap3A_851, %swap3A_852], %swap3A_855 {strides = array<i32>} : memref<1x56x512x16xf32, #tpu.memory_space<vmem>>, vector<1x1x512x16xf32>,
    %slice3A_856 = vector.extract_strided_slice %select_n3A_765 {offsets = [0, 96], sizes = [512, 16], strides = [1, 1]} : vector<512x128xf32> to vector<512x16xf32>
    %get3A_857 = arith.constant 0 : index
    %get3A_858 = arith.constant 14 : index
    %get3A_859 = arith.constant 0 : index
    %get3A_860 = vector.load %arg3[%get3A_857, %get3A_858, %get3A_859] : memref<1x56x16xf32, #tpu.memory_space<vmem>>, vector<1x1x16xf32>
    %get3A_861 = vector.shape_cast %get3A_860 : vector<1x1x16xf32> to vector<1x16xf32>
    %mul3A_862 = vector.broadcast %get3A_861 : vector<1x16xf32> to vector<512x16xf32>
    %mul3A_863 = arith.mulf %slice3A_856, %mul3A_862 : vector<512x16xf32>
    %swap3A_864 = arith.constant 0 : index
    %swap3A_865 = arith.constant 14 : index
    %swap3A_866 = arith.constant 0 : index
    %swap3A_867 = arith.constant 0 : index
    %swap3A_868 = vector.load %arg5[%swap3A_864, %swap3A_865, %swap3A_866, %swap3A_867] : memref<1x56x512x16xf32, #tpu.memory_space<vmem>>, vector<1x1x512x16xf32>
    %swap3A_869 = vector.shape_cast %swap3A_868 : vector<1x1x512x16xf32> to vector<512x16xf32>
    %swap3A_870 = vector.shape_cast %mul3A_863 : vector<512x16xf32> to vector<1x1x512x16xf32>
    tpu.vector_store %arg5[%swap3A_864, %swap3A_865, %swap3A_866, %swap3A_867], %swap3A_870 {strides = array<i32>} : memref<1x56x512x16xf32, #tpu.memory_space<vmem>>, vector<1x1x512x16xf32>,
    %slice3A_871 = vector.extract_strided_slice %select_n3A_765 {offsets = [0, 112], sizes = [512, 16], strides = [1, 1]} : vector<512x128xf32> to vector<512x16xf32>
    %get3A_872 = arith.constant 0 : index
    %get3A_873 = arith.constant 15 : index
    %get3A_874 = arith.constant 0 : index
    %get3A_875 = vector.load %arg3[%get3A_872, %get3A_873, %get3A_874] : memref<1x56x16xf32, #tpu.memory_space<vmem>>, vector<1x1x16xf32>
    %get3A_876 = vector.shape_cast %get3A_875 : vector<1x1x16xf32> to vector<1x16xf32>
    %mul3A_877 = vector.broadcast %get3A_876 : vector<1x16xf32> to vector<512x16xf32>
    %mul3A_878 = arith.mulf %slice3A_871, %mul3A_877 : vector<512x16xf32>
    %swap3A_879 = arith.constant 0 : index
    %swap3A_880 = arith.constant 15 : index
    %swap3A_881 = arith.constant 0 : index
    %swap3A_882 = arith.constant 0 : index
    %swap3A_883 = vector.load %arg5[%swap3A_879, %swap3A_880, %swap3A_881, %swap3A_882] : memref<1x56x512x16xf32, #tpu.memory_space<vmem>>, vector<1x1x512x16xf32>
    %swap3A_884 = vector.shape_cast %swap3A_883 : vector<1x1x512x16xf32> to vector<512x16xf32>
    %swap3A_885 = vector.shape_cast %mul3A_878 : vector<512x16xf32> to vector<1x1x512x16xf32>
    tpu.vector_store %arg5[%swap3A_879, %swap3A_880, %swap3A_881, %swap3A_882], %swap3A_885 {strides = array<i32>} : memref<1x56x512x16xf32, #tpu.memory_space<vmem>>, vector<1x1x512x16xf32>,
    %slice3A_886 = vector.extract_strided_slice %select_n3A_634 {offsets = [2, 0, 0], sizes = [1, 1, 128], strides = [1, 1, 1]} : vector<7x1x128xi32> to vector<1x1x128xi32>
    %squeeze3A_887 = vector.shape_cast %slice3A_886 : vector<1x1x128xi32> to vector<1x128xi32>
    %ge3A_888 = vector.broadcast %squeeze3A_887 : vector<1x128xi32> to vector<512x128xi32>
    %ge3A_889 = arith.cmpi sge, %bitcast_convert_type3A_42, %ge3A_888 : vector<512x128xi32>
    %jit3A_890 = arith.constant 0.000000e+00 : f32
    %broadcast_in_dim3A_891 = vector.broadcast %jit3A_890 : f32 to vector<512x128xf32>
    %select_n3A_892 = arith.select %ge3A_889, %mul3A_40, %broadcast_in_dim3A_891 : vector<512x128xi1>, vector<512x128xf32>
    %slice3A_893 = vector.extract_strided_slice %select_n3A_892 {offsets = [0, 0], sizes = [512, 16], strides = [1, 1]} : vector<512x128xf32> to vector<512x16xf32>
    %get3A_894 = arith.constant 0 : index
    %get3A_895 = arith.constant 16 : index
    %get3A_896 = arith.constant 0 : index
    %get3A_897 = vector.load %arg3[%get3A_894, %get3A_895, %get3A_896] : memref<1x56x16xf32, #tpu.memory_space<vmem>>, vector<1x1x16xf32>
    %get3A_898 = vector.shape_cast %get3A_897 : vector<1x1x16xf32> to vector<1x16xf32>
    %mul3A_899 = vector.broadcast %get3A_898 : vector<1x16xf32> to vector<512x16xf32>
    %mul3A_900 = arith.mulf %slice3A_893, %mul3A_899 : vector<512x16xf32>
    %swap3A_901 = arith.constant 0 : index
    %swap3A_902 = arith.constant 16 : index
    %swap3A_903 = arith.constant 0 : index
    %swap3A_904 = arith.constant 0 : index
    %swap3A_905 = vector.load %arg5[%swap3A_901, %swap3A_902, %swap3A_903, %swap3A_904] : memref<1x56x512x16xf32, #tpu.memory_space<vmem>>, vector<1x1x512x16xf32>
    %swap3A_906 = vector.shape_cast %swap3A_905 : vector<1x1x512x16xf32> to vector<512x16xf32>
    %swap3A_907 = vector.shape_cast %mul3A_900 : vector<512x16xf32> to vector<1x1x512x16xf32>
    tpu.vector_store %arg5[%swap3A_901, %swap3A_902, %swap3A_903, %swap3A_904], %swap3A_907 {strides = array<i32>} : memref<1x56x512x16xf32, #tpu.memory_space<vmem>>, vector<1x1x512x16xf32>,
    %slice3A_908 = vector.extract_strided_slice %select_n3A_892 {offsets = [0, 16], sizes = [512, 16], strides = [1, 1]} : vector<512x128xf32> to vector<512x16xf32>
    %get3A_909 = arith.constant 0 : index
    %get3A_910 = arith.constant 17 : index
    %get3A_911 = arith.constant 0 : index
    %get3A_912 = vector.load %arg3[%get3A_909, %get3A_910, %get3A_911] : memref<1x56x16xf32, #tpu.memory_space<vmem>>, vector<1x1x16xf32>
    %get3A_913 = vector.shape_cast %get3A_912 : vector<1x1x16xf32> to vector<1x16xf32>
    %mul3A_914 = vector.broadcast %get3A_913 : vector<1x16xf32> to vector<512x16xf32>
    %mul3A_915 = arith.mulf %slice3A_908, %mul3A_914 : vector<512x16xf32>
    %swap3A_916 = arith.constant 0 : index
    %swap3A_917 = arith.constant 17 : index
    %swap3A_918 = arith.constant 0 : index
    %swap3A_919 = arith.constant 0 : index
    %swap3A_920 = vector.load %arg5[%swap3A_916, %swap3A_917, %swap3A_918, %swap3A_919] : memref<1x56x512x16xf32, #tpu.memory_space<vmem>>, vector<1x1x512x16xf32>
    %swap3A_921 = vector.shape_cast %swap3A_920 : vector<1x1x512x16xf32> to vector<512x16xf32>
    %swap3A_922 = vector.shape_cast %mul3A_915 : vector<512x16xf32> to vector<1x1x512x16xf32>
    tpu.vector_store %arg5[%swap3A_916, %swap3A_917, %swap3A_918, %swap3A_919], %swap3A_922 {strides = array<i32>} : memref<1x56x512x16xf32, #tpu.memory_space<vmem>>, vector<1x1x512x16xf32>,
    %slice3A_923 = vector.extract_strided_slice %select_n3A_892 {offsets = [0, 32], sizes = [512, 16], strides = [1, 1]} : vector<512x128xf32> to vector<512x16xf32>
    %get3A_924 = arith.constant 0 : index
    %get3A_925 = arith.constant 18 : index
    %get3A_926 = arith.constant 0 : index
    %get3A_927 = vector.load %arg3[%get3A_924, %get3A_925, %get3A_926] : memref<1x56x16xf32, #tpu.memory_space<vmem>>, vector<1x1x16xf32>
    %get3A_928 = vector.shape_cast %get3A_927 : vector<1x1x16xf32> to vector<1x16xf32>
    %mul3A_929 = vector.broadcast %get3A_928 : vector<1x16xf32> to vector<512x16xf32>
    %mul3A_930 = arith.mulf %slice3A_923, %mul3A_929 : vector<512x16xf32>
    %swap3A_931 = arith.constant 0 : index
    %swap3A_932 = arith.constant 18 : index
    %swap3A_933 = arith.constant 0 : index
    %swap3A_934 = arith.constant 0 : index
    %swap3A_935 = vector.load %arg5[%swap3A_931, %swap3A_932, %swap3A_933, %swap3A_934] : memref<1x56x512x16xf32, #tpu.memory_space<vmem>>, vector<1x1x512x16xf32>
    %swap3A_936 = vector.shape_cast %swap3A_935 : vector<1x1x512x16xf32> to vector<512x16xf32>
    %swap3A_937 = vector.shape_cast %mul3A_930 : vector<512x16xf32> to vector<1x1x512x16xf32>
    tpu.vector_store %arg5[%swap3A_931, %swap3A_932, %swap3A_933, %swap3A_934], %swap3A_937 {strides = array<i32>} : memref<1x56x512x16xf32, #tpu.memory_space<vmem>>, vector<1x1x512x16xf32>,
    %slice3A_938 = vector.extract_strided_slice %select_n3A_892 {offsets = [0, 48], sizes = [512, 16], strides = [1, 1]} : vector<512x128xf32> to vector<512x16xf32>
    %get3A_939 = arith.constant 0 : index
    %get3A_940 = arith.constant 19 : index
    %get3A_941 = arith.constant 0 : index
    %get3A_942 = vector.load %arg3[%get3A_939, %get3A_940, %get3A_941] : memref<1x56x16xf32, #tpu.memory_space<vmem>>, vector<1x1x16xf32>
    %get3A_943 = vector.shape_cast %get3A_942 : vector<1x1x16xf32> to vector<1x16xf32>
    %mul3A_944 = vector.broadcast %get3A_943 : vector<1x16xf32> to vector<512x16xf32>
    %mul3A_945 = arith.mulf %slice3A_938, %mul3A_944 : vector<512x16xf32>
    %swap3A_946 = arith.constant 0 : index
    %swap3A_947 = arith.constant 19 : index
    %swap3A_948 = arith.constant 0 : index
    %swap3A_949 = arith.constant 0 : index
    %swap3A_950 = vector.load %arg5[%swap3A_946, %swap3A_947, %swap3A_948, %swap3A_949] : memref<1x56x512x16xf32, #tpu.memory_space<vmem>>, vector<1x1x512x16xf32>
    %swap3A_951 = vector.shape_cast %swap3A_950 : vector<1x1x512x16xf32> to vector<512x16xf32>
    %swap3A_952 = vector.shape_cast %mul3A_945 : vector<512x16xf32> to vector<1x1x512x16xf32>
    tpu.vector_store %arg5[%swap3A_946, %swap3A_947, %swap3A_948, %swap3A_949], %swap3A_952 {strides = array<i32>} : memref<1x56x512x16xf32, #tpu.memory_space<vmem>>, vector<1x1x512x16xf32>,
    %slice3A_953 = vector.extract_strided_slice %select_n3A_892 {offsets = [0, 64], sizes = [512, 16], strides = [1, 1]} : vector<512x128xf32> to vector<512x16xf32>
    %get3A_954 = arith.constant 0 : index
    %get3A_955 = arith.constant 20 : index
    %get3A_956 = arith.constant 0 : index
    %get3A_957 = vector.load %arg3[%get3A_954, %get3A_955, %get3A_956] : memref<1x56x16xf32, #tpu.memory_space<vmem>>, vector<1x1x16xf32>
    %get3A_958 = vector.shape_cast %get3A_957 : vector<1x1x16xf32> to vector<1x16xf32>
    %mul3A_959 = vector.broadcast %get3A_958 : vector<1x16xf32> to vector<512x16xf32>
    %mul3A_960 = arith.mulf %slice3A_953, %mul3A_959 : vector<512x16xf32>
    %swap3A_961 = arith.constant 0 : index
    %swap3A_962 = arith.constant 20 : index
    %swap3A_963 = arith.constant 0 : index
    %swap3A_964 = arith.constant 0 : index
    %swap3A_965 = vector.load %arg5[%swap3A_961, %swap3A_962, %swap3A_963, %swap3A_964] : memref<1x56x512x16xf32, #tpu.memory_space<vmem>>, vector<1x1x512x16xf32>
    %swap3A_966 = vector.shape_cast %swap3A_965 : vector<1x1x512x16xf32> to vector<512x16xf32>
    %swap3A_967 = vector.shape_cast %mul3A_960 : vector<512x16xf32> to vector<1x1x512x16xf32>
    tpu.vector_store %arg5[%swap3A_961, %swap3A_962, %swap3A_963, %swap3A_964], %swap3A_967 {strides = array<i32>} : memref<1x56x512x16xf32, #tpu.memory_space<vmem>>, vector<1x1x512x16xf32>,
    %slice3A_968 = vector.extract_strided_slice %select_n3A_892 {offsets = [0, 80], sizes = [512, 16], strides = [1, 1]} : vector<512x128xf32> to vector<512x16xf32>
    %get3A_969 = arith.constant 0 : index
    %get3A_970 = arith.constant 21 : index
    %get3A_971 = arith.constant 0 : index
    %get3A_972 = vector.load %arg3[%get3A_969, %get3A_970, %get3A_971] : memref<1x56x16xf32, #tpu.memory_space<vmem>>, vector<1x1x16xf32>
    %get3A_973 = vector.shape_cast %get3A_972 : vector<1x1x16xf32> to vector<1x16xf32>
    %mul3A_974 = vector.broadcast %get3A_973 : vector<1x16xf32> to vector<512x16xf32>
    %mul3A_975 = arith.mulf %slice3A_968, %mul3A_974 : vector<512x16xf32>
    %swap3A_976 = arith.constant 0 : index
    %swap3A_977 = arith.constant 21 : index
    %swap3A_978 = arith.constant 0 : index
    %swap3A_979 = arith.constant 0 : index
    %swap3A_980 = vector.load %arg5[%swap3A_976, %swap3A_977, %swap3A_978, %swap3A_979] : memref<1x56x512x16xf32, #tpu.memory_space<vmem>>, vector<1x1x512x16xf32>
    %swap3A_981 = vector.shape_cast %swap3A_980 : vector<1x1x512x16xf32> to vector<512x16xf32>
    %swap3A_982 = vector.shape_cast %mul3A_975 : vector<512x16xf32> to vector<1x1x512x16xf32>
    tpu.vector_store %arg5[%swap3A_976, %swap3A_977, %swap3A_978, %swap3A_979], %swap3A_982 {strides = array<i32>} : memref<1x56x512x16xf32, #tpu.memory_space<vmem>>, vector<1x1x512x16xf32>,
    %slice3A_983 = vector.extract_strided_slice %select_n3A_892 {offsets = [0, 96], sizes = [512, 16], strides = [1, 1]} : vector<512x128xf32> to vector<512x16xf32>
    %get3A_984 = arith.constant 0 : index
    %get3A_985 = arith.constant 22 : index
    %get3A_986 = arith.constant 0 : index
    %get3A_987 = vector.load %arg3[%get3A_984, %get3A_985, %get3A_986] : memref<1x56x16xf32, #tpu.memory_space<vmem>>, vector<1x1x16xf32>
    %get3A_988 = vector.shape_cast %get3A_987 : vector<1x1x16xf32> to vector<1x16xf32>
    %mul3A_989 = vector.broadcast %get3A_988 : vector<1x16xf32> to vector<512x16xf32>
    %mul3A_990 = arith.mulf %slice3A_983, %mul3A_989 : vector<512x16xf32>
    %swap3A_991 = arith.constant 0 : index
    %swap3A_992 = arith.constant 22 : index
    %swap3A_993 = arith.constant 0 : index
    %swap3A_994 = arith.constant 0 : index
    %swap3A_995 = vector.load %arg5[%swap3A_991, %swap3A_992, %swap3A_993, %swap3A_994] : memref<1x56x512x16xf32, #tpu.memory_space<vmem>>, vector<1x1x512x16xf32>
    %swap3A_996 = vector.shape_cast %swap3A_995 : vector<1x1x512x16xf32> to vector<512x16xf32>
    %swap3A_997 = vector.shape_cast %mul3A_990 : vector<512x16xf32> to vector<1x1x512x16xf32>
    tpu.vector_store %arg5[%swap3A_991, %swap3A_992, %swap3A_993, %swap3A_994], %swap3A_997 {strides = array<i32>} : memref<1x56x512x16xf32, #tpu.memory_space<vmem>>, vector<1x1x512x16xf32>,
    %slice3A_998 = vector.extract_strided_slice %select_n3A_892 {offsets = [0, 112], sizes = [512, 16], strides = [1, 1]} : vector<512x128xf32> to vector<512x16xf32>
    %get3A_999 = arith.constant 0 : index
    %get3A_1000 = arith.constant 23 : index
    %get3A_1001 = arith.constant 0 : index
    %get3A_1002 = vector.load %arg3[%get3A_999, %get3A_1000, %get3A_1001] : memref<1x56x16xf32, #tpu.memory_space<vmem>>, vector<1x1x16xf32>
    %get3A_1003 = vector.shape_cast %get3A_1002 : vector<1x1x16xf32> to vector<1x16xf32>
    %mul3A_1004 = vector.broadcast %get3A_1003 : vector<1x16xf32> to vector<512x16xf32>
    %mul3A_1005 = arith.mulf %slice3A_998, %mul3A_1004 : vector<512x16xf32>
    %swap3A_1006 = arith.constant 0 : index
    %swap3A_1007 = arith.constant 23 : index
    %swap3A_1008 = arith.constant 0 : index
    %swap3A_1009 = arith.constant 0 : index
    %swap3A_1010 = vector.load %arg5[%swap3A_1006, %swap3A_1007, %swap3A_1008, %swap3A_1009] : memref<1x56x512x16xf32, #tpu.memory_space<vmem>>, vector<1x1x512x16xf32>
    %swap3A_1011 = vector.shape_cast %swap3A_1010 : vector<1x1x512x16xf32> to vector<512x16xf32>
    %swap3A_1012 = vector.shape_cast %mul3A_1005 : vector<512x16xf32> to vector<1x1x512x16xf32>
    tpu.vector_store %arg5[%swap3A_1006, %swap3A_1007, %swap3A_1008, %swap3A_1009], %swap3A_1012 {strides = array<i32>} : memref<1x56x512x16xf32, #tpu.memory_space<vmem>>, vector<1x1x512x16xf32>,
    %slice3A_1013 = vector.extract_strided_slice %select_n3A_634 {offsets = [3, 0, 0], sizes = [1, 1, 128], strides = [1, 1, 1]} : vector<7x1x128xi32> to vector<1x1x128xi32>
    %squeeze3A_1014 = vector.shape_cast %slice3A_1013 : vector<1x1x128xi32> to vector<1x128xi32>
    %ge3A_1015 = vector.broadcast %squeeze3A_1014 : vector<1x128xi32> to vector<512x128xi32>
    %ge3A_1016 = arith.cmpi sge, %bitcast_convert_type3A_58, %ge3A_1015 : vector<512x128xi32>
    %jit3A_1017 = arith.constant 0.000000e+00 : f32
    %broadcast_in_dim3A_1018 = vector.broadcast %jit3A_1017 : f32 to vector<512x128xf32>
    %select_n3A_1019 = arith.select %ge3A_1016, %mul3A_56, %broadcast_in_dim3A_1018 : vector<512x128xi1>, vector<512x128xf32>
    %slice3A_1020 = vector.extract_strided_slice %select_n3A_1019 {offsets = [0, 0], sizes = [512, 16], strides = [1, 1]} : vector<512x128xf32> to vector<512x16xf32>
    %get3A_1021 = arith.constant 0 : index
    %get3A_1022 = arith.constant 24 : index
    %get3A_1023 = arith.constant 0 : index
    %get3A_1024 = vector.load %arg3[%get3A_1021, %get3A_1022, %get3A_1023] : memref<1x56x16xf32, #tpu.memory_space<vmem>>, vector<1x1x16xf32>
    %get3A_1025 = vector.shape_cast %get3A_1024 : vector<1x1x16xf32> to vector<1x16xf32>
    %mul3A_1026 = vector.broadcast %get3A_1025 : vector<1x16xf32> to vector<512x16xf32>
    %mul3A_1027 = arith.mulf %slice3A_1020, %mul3A_1026 : vector<512x16xf32>
    %swap3A_1028 = arith.constant 0 : index
    %swap3A_1029 = arith.constant 24 : index
    %swap3A_1030 = arith.constant 0 : index
    %swap3A_1031 = arith.constant 0 : index
    %swap3A_1032 = vector.load %arg5[%swap3A_1028, %swap3A_1029, %swap3A_1030, %swap3A_1031] : memref<1x56x512x16xf32, #tpu.memory_space<vmem>>, vector<1x1x512x16xf32>
    %swap3A_1033 = vector.shape_cast %swap3A_1032 : vector<1x1x512x16xf32> to vector<512x16xf32>
    %swap3A_1034 = vector.shape_cast %mul3A_1027 : vector<512x16xf32> to vector<1x1x512x16xf32>
    tpu.vector_store %arg5[%swap3A_1028, %swap3A_1029, %swap3A_1030, %swap3A_1031], %swap3A_1034 {strides = array<i32>} : memref<1x56x512x16xf32, #tpu.memory_space<vmem>>, vector<1x1x512x16xf32>,
    %slice3A_1035 = vector.extract_strided_slice %select_n3A_1019 {offsets = [0, 16], sizes = [512, 16], strides = [1, 1]} : vector<512x128xf32> to vector<512x16xf32>
    %get3A_1036 = arith.constant 0 : index
    %get3A_1037 = arith.constant 25 : index
    %get3A_1038 = arith.constant 0 : index
    %get3A_1039 = vector.load %arg3[%get3A_1036, %get3A_1037, %get3A_1038] : memref<1x56x16xf32, #tpu.memory_space<vmem>>, vector<1x1x16xf32>
    %get3A_1040 = vector.shape_cast %get3A_1039 : vector<1x1x16xf32> to vector<1x16xf32>
    %mul3A_1041 = vector.broadcast %get3A_1040 : vector<1x16xf32> to vector<512x16xf32>
    %mul3A_1042 = arith.mulf %slice3A_1035, %mul3A_1041 : vector<512x16xf32>
    %swap3A_1043 = arith.constant 0 : index
    %swap3A_1044 = arith.constant 25 : index
    %swap3A_1045 = arith.constant 0 : index
    %swap3A_1046 = arith.constant 0 : index
    %swap3A_1047 = vector.load %arg5[%swap3A_1043, %swap3A_1044, %swap3A_1045, %swap3A_1046] : memref<1x56x512x16xf32, #tpu.memory_space<vmem>>, vector<1x1x512x16xf32>
    %swap3A_1048 = vector.shape_cast %swap3A_1047 : vector<1x1x512x16xf32> to vector<512x16xf32>
    %swap3A_1049 = vector.shape_cast %mul3A_1042 : vector<512x16xf32> to vector<1x1x512x16xf32>
    tpu.vector_store %arg5[%swap3A_1043, %swap3A_1044, %swap3A_1045, %swap3A_1046], %swap3A_1049 {strides = array<i32>} : memref<1x56x512x16xf32, #tpu.memory_space<vmem>>, vector<1x1x512x16xf32>,
    %slice3A_1050 = vector.extract_strided_slice %select_n3A_1019 {offsets = [0, 32], sizes = [512, 16], strides = [1, 1]} : vector<512x128xf32> to vector<512x16xf32>
    %get3A_1051 = arith.constant 0 : index
    %get3A_1052 = arith.constant 26 : index
    %get3A_1053 = arith.constant 0 : index
    %get3A_1054 = vector.load %arg3[%get3A_1051, %get3A_1052, %get3A_1053] : memref<1x56x16xf32, #tpu.memory_space<vmem>>, vector<1x1x16xf32>
    %get3A_1055 = vector.shape_cast %get3A_1054 : vector<1x1x16xf32> to vector<1x16xf32>
    %mul3A_1056 = vector.broadcast %get3A_1055 : vector<1x16xf32> to vector<512x16xf32>
    %mul3A_1057 = arith.mulf %slice3A_1050, %mul3A_1056 : vector<512x16xf32>
    %swap3A_1058 = arith.constant 0 : index
    %swap3A_1059 = arith.constant 26 : index
    %swap3A_1060 = arith.constant 0 : index
    %swap3A_1061 = arith.constant 0 : index
    %swap3A_1062 = vector.load %arg5[%swap3A_1058, %swap3A_1059, %swap3A_1060, %swap3A_1061] : memref<1x56x512x16xf32, #tpu.memory_space<vmem>>, vector<1x1x512x16xf32>
    %swap3A_1063 = vector.shape_cast %swap3A_1062 : vector<1x1x512x16xf32> to vector<512x16xf32>
    %swap3A_1064 = vector.shape_cast %mul3A_1057 : vector<512x16xf32> to vector<1x1x512x16xf32>
    tpu.vector_store %arg5[%swap3A_1058, %swap3A_1059, %swap3A_1060, %swap3A_1061], %swap3A_1064 {strides = array<i32>} : memref<1x56x512x16xf32, #tpu.memory_space<vmem>>, vector<1x1x512x16xf32>,
    %slice3A_1065 = vector.extract_strided_slice %select_n3A_1019 {offsets = [0, 48], sizes = [512, 16], strides = [1, 1]} : vector<512x128xf32> to vector<512x16xf32>
    %get3A_1066 = arith.constant 0 : index
    %get3A_1067 = arith.constant 27 : index
    %get3A_1068 = arith.constant 0 : index
    %get3A_1069 = vector.load %arg3[%get3A_1066, %get3A_1067, %get3A_1068] : memref<1x56x16xf32, #tpu.memory_space<vmem>>, vector<1x1x16xf32>
    %get3A_1070 = vector.shape_cast %get3A_1069 : vector<1x1x16xf32> to vector<1x16xf32>
    %mul3A_1071 = vector.broadcast %get3A_1070 : vector<1x16xf32> to vector<512x16xf32>
    %mul3A_1072 = arith.mulf %slice3A_1065, %mul3A_1071 : vector<512x16xf32>
    %swap3A_1073 = arith.constant 0 : index
    %swap3A_1074 = arith.constant 27 : index
    %swap3A_1075 = arith.constant 0 : index
    %swap3A_1076 = arith.constant 0 : index
    %swap3A_1077 = vector.load %arg5[%swap3A_1073, %swap3A_1074, %swap3A_1075, %swap3A_1076] : memref<1x56x512x16xf32, #tpu.memory_space<vmem>>, vector<1x1x512x16xf32>
    %swap3A_1078 = vector.shape_cast %swap3A_1077 : vector<1x1x512x16xf32> to vector<512x16xf32>
    %swap3A_1079 = vector.shape_cast %mul3A_1072 : vector<512x16xf32> to vector<1x1x512x16xf32>
    tpu.vector_store %arg5[%swap3A_1073, %swap3A_1074, %swap3A_1075, %swap3A_1076], %swap3A_1079 {strides = array<i32>} : memref<1x56x512x16xf32, #tpu.memory_space<vmem>>, vector<1x1x512x16xf32>,
    %slice3A_1080 = vector.extract_strided_slice %select_n3A_1019 {offsets = [0, 64], sizes = [512, 16], strides = [1, 1]} : vector<512x128xf32> to vector<512x16xf32>
    %get3A_1081 = arith.constant 0 : index
    %get3A_1082 = arith.constant 28 : index
    %get3A_1083 = arith.constant 0 : index
    %get3A_1084 = vector.load %arg3[%get3A_1081, %get3A_1082, %get3A_1083] : memref<1x56x16xf32, #tpu.memory_space<vmem>>, vector<1x1x16xf32>
    %get3A_1085 = vector.shape_cast %get3A_1084 : vector<1x1x16xf32> to vector<1x16xf32>
    %mul3A_1086 = vector.broadcast %get3A_1085 : vector<1x16xf32> to vector<512x16xf32>
    %mul3A_1087 = arith.mulf %slice3A_1080, %mul3A_1086 : vector<512x16xf32>
    %swap3A_1088 = arith.constant 0 : index
    %swap3A_1089 = arith.constant 28 : index
    %swap3A_1090 = arith.constant 0 : index
    %swap3A_1091 = arith.constant 0 : index
    %swap3A_1092 = vector.load %arg5[%swap3A_1088, %swap3A_1089, %swap3A_1090, %swap3A_1091] : memref<1x56x512x16xf32, #tpu.memory_space<vmem>>, vector<1x1x512x16xf32>
    %swap3A_1093 = vector.shape_cast %swap3A_1092 : vector<1x1x512x16xf32> to vector<512x16xf32>
    %swap3A_1094 = vector.shape_cast %mul3A_1087 : vector<512x16xf32> to vector<1x1x512x16xf32>
    tpu.vector_store %arg5[%swap3A_1088, %swap3A_1089, %swap3A_1090, %swap3A_1091], %swap3A_1094 {strides = array<i32>} : memref<1x56x512x16xf32, #tpu.memory_space<vmem>>, vector<1x1x512x16xf32>,
    %slice3A_1095 = vector.extract_strided_slice %select_n3A_1019 {offsets = [0, 80], sizes = [512, 16], strides = [1, 1]} : vector<512x128xf32> to vector<512x16xf32>
    %get3A_1096 = arith.constant 0 : index
    %get3A_1097 = arith.constant 29 : index
    %get3A_1098 = arith.constant 0 : index
    %get3A_1099 = vector.load %arg3[%get3A_1096, %get3A_1097, %get3A_1098] : memref<1x56x16xf32, #tpu.memory_space<vmem>>, vector<1x1x16xf32>
    %get3A_1100 = vector.shape_cast %get3A_1099 : vector<1x1x16xf32> to vector<1x16xf32>
    %mul3A_1101 = vector.broadcast %get3A_1100 : vector<1x16xf32> to vector<512x16xf32>
    %mul3A_1102 = arith.mulf %slice3A_1095, %mul3A_1101 : vector<512x16xf32>
    %swap3A_1103 = arith.constant 0 : index
    %swap3A_1104 = arith.constant 29 : index
    %swap3A_1105 = arith.constant 0 : index
    %swap3A_1106 = arith.constant 0 : index
    %swap3A_1107 = vector.load %arg5[%swap3A_1103, %swap3A_1104, %swap3A_1105, %swap3A_1106] : memref<1x56x512x16xf32, #tpu.memory_space<vmem>>, vector<1x1x512x16xf32>
    %swap3A_1108 = vector.shape_cast %swap3A_1107 : vector<1x1x512x16xf32> to vector<512x16xf32>
    %swap3A_1109 = vector.shape_cast %mul3A_1102 : vector<512x16xf32> to vector<1x1x512x16xf32>
    tpu.vector_store %arg5[%swap3A_1103, %swap3A_1104, %swap3A_1105, %swap3A_1106], %swap3A_1109 {strides = array<i32>} : memref<1x56x512x16xf32, #tpu.memory_space<vmem>>, vector<1x1x512x16xf32>,
    %slice3A_1110 = vector.extract_strided_slice %select_n3A_1019 {offsets = [0, 96], sizes = [512, 16], strides = [1, 1]} : vector<512x128xf32> to vector<512x16xf32>
    %get3A_1111 = arith.constant 0 : index
    %get3A_1112 = arith.constant 30 : index
    %get3A_1113 = arith.constant 0 : index
    %get3A_1114 = vector.load %arg3[%get3A_1111, %get3A_1112, %get3A_1113] : memref<1x56x16xf32, #tpu.memory_space<vmem>>, vector<1x1x16xf32>
    %get3A_1115 = vector.shape_cast %get3A_1114 : vector<1x1x16xf32> to vector<1x16xf32>
    %mul3A_1116 = vector.broadcast %get3A_1115 : vector<1x16xf32> to vector<512x16xf32>
    %mul3A_1117 = arith.mulf %slice3A_1110, %mul3A_1116 : vector<512x16xf32>
    %swap3A_1118 = arith.constant 0 : index
    %swap3A_1119 = arith.constant 30 : index
    %swap3A_1120 = arith.constant 0 : index
    %swap3A_1121 = arith.constant 0 : index
    %swap3A_1122 = vector.load %arg5[%swap3A_1118, %swap3A_1119, %swap3A_1120, %swap3A_1121] : memref<1x56x512x16xf32, #tpu.memory_space<vmem>>, vector<1x1x512x16xf32>
    %swap3A_1123 = vector.shape_cast %swap3A_1122 : vector<1x1x512x16xf32> to vector<512x16xf32>
    %swap3A_1124 = vector.shape_cast %mul3A_1117 : vector<512x16xf32> to vector<1x1x512x16xf32>
    tpu.vector_store %arg5[%swap3A_1118, %swap3A_1119, %swap3A_1120, %swap3A_1121], %swap3A_1124 {strides = array<i32>} : memref<1x56x512x16xf32, #tpu.memory_space<vmem>>, vector<1x1x512x16xf32>,
    %slice3A_1125 = vector.extract_strided_slice %select_n3A_1019 {offsets = [0, 112], sizes = [512, 16], strides = [1, 1]} : vector<512x128xf32> to vector<512x16xf32>
    %get3A_1126 = arith.constant 0 : index
    %get3A_1127 = arith.constant 31 : index
    %get3A_1128 = arith.constant 0 : index
    %get3A_1129 = vector.load %arg3[%get3A_1126, %get3A_1127, %get3A_1128] : memref<1x56x16xf32, #tpu.memory_space<vmem>>, vector<1x1x16xf32>
    %get3A_1130 = vector.shape_cast %get3A_1129 : vector<1x1x16xf32> to vector<1x16xf32>
    %mul3A_1131 = vector.broadcast %get3A_1130 : vector<1x16xf32> to vector<512x16xf32>
    %mul3A_1132 = arith.mulf %slice3A_1125, %mul3A_1131 : vector<512x16xf32>
    %swap3A_1133 = arith.constant 0 : index
    %swap3A_1134 = arith.constant 31 : index
    %swap3A_1135 = arith.constant 0 : index
    %swap3A_1136 = arith.constant 0 : index
    %swap3A_1137 = vector.load %arg5[%swap3A_1133, %swap3A_1134, %swap3A_1135, %swap3A_1136] : memref<1x56x512x16xf32, #tpu.memory_space<vmem>>, vector<1x1x512x16xf32>
    %swap3A_1138 = vector.shape_cast %swap3A_1137 : vector<1x1x512x16xf32> to vector<512x16xf32>
    %swap3A_1139 = vector.shape_cast %mul3A_1132 : vector<512x16xf32> to vector<1x1x512x16xf32>
    tpu.vector_store %arg5[%swap3A_1133, %swap3A_1134, %swap3A_1135, %swap3A_1136], %swap3A_1139 {strides = array<i32>} : memref<1x56x512x16xf32, #tpu.memory_space<vmem>>, vector<1x1x512x16xf32>,
    %slice3A_1140 = vector.extract_strided_slice %select_n3A_634 {offsets = [4, 0, 0], sizes = [1, 1, 128], strides = [1, 1, 1]} : vector<7x1x128xi32> to vector<1x1x128xi32>
    %squeeze3A_1141 = vector.shape_cast %slice3A_1140 : vector<1x1x128xi32> to vector<1x128xi32>
    %ge3A_1142 = vector.broadcast %squeeze3A_1141 : vector<1x128xi32> to vector<512x128xi32>
    %ge3A_1143 = arith.cmpi sge, %bitcast_convert_type3A_74, %ge3A_1142 : vector<512x128xi32>
    %jit3A_1144 = arith.constant 0.000000e+00 : f32
    %broadcast_in_dim3A_1145 = vector.broadcast %jit3A_1144 : f32 to vector<512x128xf32>
    %select_n3A_1146 = arith.select %ge3A_1143, %mul3A_72, %broadcast_in_dim3A_1145 : vector<512x128xi1>, vector<512x128xf32>
    %slice3A_1147 = vector.extract_strided_slice %select_n3A_1146 {offsets = [0, 0], sizes = [512, 16], strides = [1, 1]} : vector<512x128xf32> to vector<512x16xf32>
    %get3A_1148 = arith.constant 0 : index
    %get3A_1149 = arith.constant 32 : index
    %get3A_1150 = arith.constant 0 : index
    %get3A_1151 = vector.load %arg3[%get3A_1148, %get3A_1149, %get3A_1150] : memref<1x56x16xf32, #tpu.memory_space<vmem>>, vector<1x1x16xf32>
    %get3A_1152 = vector.shape_cast %get3A_1151 : vector<1x1x16xf32> to vector<1x16xf32>
    %mul3A_1153 = vector.broadcast %get3A_1152 : vector<1x16xf32> to vector<512x16xf32>
    %mul3A_1154 = arith.mulf %slice3A_1147, %mul3A_1153 : vector<512x16xf32>
    %swap3A_1155 = arith.constant 0 : index
    %swap3A_1156 = arith.constant 32 : index
    %swap3A_1157 = arith.constant 0 : index
    %swap3A_1158 = arith.constant 0 : index
    %swap3A_1159 = vector.load %arg5[%swap3A_1155, %swap3A_1156, %swap3A_1157, %swap3A_1158] : memref<1x56x512x16xf32, #tpu.memory_space<vmem>>, vector<1x1x512x16xf32>
    %swap3A_1160 = vector.shape_cast %swap3A_1159 : vector<1x1x512x16xf32> to vector<512x16xf32>
    %swap3A_1161 = vector.shape_cast %mul3A_1154 : vector<512x16xf32> to vector<1x1x512x16xf32>
    tpu.vector_store %arg5[%swap3A_1155, %swap3A_1156, %swap3A_1157, %swap3A_1158], %swap3A_1161 {strides = array<i32>} : memref<1x56x512x16xf32, #tpu.memory_space<vmem>>, vector<1x1x512x16xf32>,
    %slice3A_1162 = vector.extract_strided_slice %select_n3A_1146 {offsets = [0, 16], sizes = [512, 16], strides = [1, 1]} : vector<512x128xf32> to vector<512x16xf32>
    %get3A_1163 = arith.constant 0 : index
    %get3A_1164 = arith.constant 33 : index
    %get3A_1165 = arith.constant 0 : index
    %get3A_1166 = vector.load %arg3[%get3A_1163, %get3A_1164, %get3A_1165] : memref<1x56x16xf32, #tpu.memory_space<vmem>>, vector<1x1x16xf32>
    %get3A_1167 = vector.shape_cast %get3A_1166 : vector<1x1x16xf32> to vector<1x16xf32>
    %mul3A_1168 = vector.broadcast %get3A_1167 : vector<1x16xf32> to vector<512x16xf32>
    %mul3A_1169 = arith.mulf %slice3A_1162, %mul3A_1168 : vector<512x16xf32>
    %swap3A_1170 = arith.constant 0 : index
    %swap3A_1171 = arith.constant 33 : index
    %swap3A_1172 = arith.constant 0 : index
    %swap3A_1173 = arith.constant 0 : index
    %swap3A_1174 = vector.load %arg5[%swap3A_1170, %swap3A_1171, %swap3A_1172, %swap3A_1173] : memref<1x56x512x16xf32, #tpu.memory_space<vmem>>, vector<1x1x512x16xf32>
    %swap3A_1175 = vector.shape_cast %swap3A_1174 : vector<1x1x512x16xf32> to vector<512x16xf32>
    %swap3A_1176 = vector.shape_cast %mul3A_1169 : vector<512x16xf32> to vector<1x1x512x16xf32>
    tpu.vector_store %arg5[%swap3A_1170, %swap3A_1171, %swap3A_1172, %swap3A_1173], %swap3A_1176 {strides = array<i32>} : memref<1x56x512x16xf32, #tpu.memory_space<vmem>>, vector<1x1x512x16xf32>,
    %slice3A_1177 = vector.extract_strided_slice %select_n3A_1146 {offsets = [0, 32], sizes = [512, 16], strides = [1, 1]} : vector<512x128xf32> to vector<512x16xf32>
    %get3A_1178 = arith.constant 0 : index
    %get3A_1179 = arith.constant 34 : index
    %get3A_1180 = arith.constant 0 : index
    %get3A_1181 = vector.load %arg3[%get3A_1178, %get3A_1179, %get3A_1180] : memref<1x56x16xf32, #tpu.memory_space<vmem>>, vector<1x1x16xf32>
    %get3A_1182 = vector.shape_cast %get3A_1181 : vector<1x1x16xf32> to vector<1x16xf32>
    %mul3A_1183 = vector.broadcast %get3A_1182 : vector<1x16xf32> to vector<512x16xf32>
    %mul3A_1184 = arith.mulf %slice3A_1177, %mul3A_1183 : vector<512x16xf32>
    %swap3A_1185 = arith.constant 0 : index
    %swap3A_1186 = arith.constant 34 : index
    %swap3A_1187 = arith.constant 0 : index
    %swap3A_1188 = arith.constant 0 : index
    %swap3A_1189 = vector.load %arg5[%swap3A_1185, %swap3A_1186, %swap3A_1187, %swap3A_1188] : memref<1x56x512x16xf32, #tpu.memory_space<vmem>>, vector<1x1x512x16xf32>
    %swap3A_1190 = vector.shape_cast %swap3A_1189 : vector<1x1x512x16xf32> to vector<512x16xf32>
    %swap3A_1191 = vector.shape_cast %mul3A_1184 : vector<512x16xf32> to vector<1x1x512x16xf32>
    tpu.vector_store %arg5[%swap3A_1185, %swap3A_1186, %swap3A_1187, %swap3A_1188], %swap3A_1191 {strides = array<i32>} : memref<1x56x512x16xf32, #tpu.memory_space<vmem>>, vector<1x1x512x16xf32>,
    %slice3A_1192 = vector.extract_strided_slice %select_n3A_1146 {offsets = [0, 48], sizes = [512, 16], strides = [1, 1]} : vector<512x128xf32> to vector<512x16xf32>
    %get3A_1193 = arith.constant 0 : index
    %get3A_1194 = arith.constant 35 : index
    %get3A_1195 = arith.constant 0 : index
    %get3A_1196 = vector.load %arg3[%get3A_1193, %get3A_1194, %get3A_1195] : memref<1x56x16xf32, #tpu.memory_space<vmem>>, vector<1x1x16xf32>
    %get3A_1197 = vector.shape_cast %get3A_1196 : vector<1x1x16xf32> to vector<1x16xf32>
    %mul3A_1198 = vector.broadcast %get3A_1197 : vector<1x16xf32> to vector<512x16xf32>
    %mul3A_1199 = arith.mulf %slice3A_1192, %mul3A_1198 : vector<512x16xf32>
    %swap3A_1200 = arith.constant 0 : index
    %swap3A_1201 = arith.constant 35 : index
    %swap3A_1202 = arith.constant 0 : index
    %swap3A_1203 = arith.constant 0 : index
    %swap3A_1204 = vector.load %arg5[%swap3A_1200, %swap3A_1201, %swap3A_1202, %swap3A_1203] : memref<1x56x512x16xf32, #tpu.memory_space<vmem>>, vector<1x1x512x16xf32>
    %swap3A_1205 = vector.shape_cast %swap3A_1204 : vector<1x1x512x16xf32> to vector<512x16xf32>
    %swap3A_1206 = vector.shape_cast %mul3A_1199 : vector<512x16xf32> to vector<1x1x512x16xf32>
    tpu.vector_store %arg5[%swap3A_1200, %swap3A_1201, %swap3A_1202, %swap3A_1203], %swap3A_1206 {strides = array<i32>} : memref<1x56x512x16xf32, #tpu.memory_space<vmem>>, vector<1x1x512x16xf32>,
    %slice3A_1207 = vector.extract_strided_slice %select_n3A_1146 {offsets = [0, 64], sizes = [512, 16], strides = [1, 1]} : vector<512x128xf32> to vector<512x16xf32>
    %get3A_1208 = arith.constant 0 : index
    %get3A_1209 = arith.constant 36 : index
    %get3A_1210 = arith.constant 0 : index
    %get3A_1211 = vector.load %arg3[%get3A_1208, %get3A_1209, %get3A_1210] : memref<1x56x16xf32, #tpu.memory_space<vmem>>, vector<1x1x16xf32>
    %get3A_1212 = vector.shape_cast %get3A_1211 : vector<1x1x16xf32> to vector<1x16xf32>
    %mul3A_1213 = vector.broadcast %get3A_1212 : vector<1x16xf32> to vector<512x16xf32>
    %mul3A_1214 = arith.mulf %slice3A_1207, %mul3A_1213 : vector<512x16xf32>
    %swap3A_1215 = arith.constant 0 : index
    %swap3A_1216 = arith.constant 36 : index
    %swap3A_1217 = arith.constant 0 : index
    %swap3A_1218 = arith.constant 0 : index
    %swap3A_1219 = vector.load %arg5[%swap3A_1215, %swap3A_1216, %swap3A_1217, %swap3A_1218] : memref<1x56x512x16xf32, #tpu.memory_space<vmem>>, vector<1x1x512x16xf32>
    %swap3A_1220 = vector.shape_cast %swap3A_1219 : vector<1x1x512x16xf32> to vector<512x16xf32>
    %swap3A_1221 = vector.shape_cast %mul3A_1214 : vector<512x16xf32> to vector<1x1x512x16xf32>
    tpu.vector_store %arg5[%swap3A_1215, %swap3A_1216, %swap3A_1217, %swap3A_1218], %swap3A_1221 {strides = array<i32>} : memref<1x56x512x16xf32, #tpu.memory_space<vmem>>, vector<1x1x512x16xf32>,
    %slice3A_1222 = vector.extract_strided_slice %select_n3A_1146 {offsets = [0, 80], sizes = [512, 16], strides = [1, 1]} : vector<512x128xf32> to vector<512x16xf32>
    %get3A_1223 = arith.constant 0 : index
    %get3A_1224 = arith.constant 37 : index
    %get3A_1225 = arith.constant 0 : index
    %get3A_1226 = vector.load %arg3[%get3A_1223, %get3A_1224, %get3A_1225] : memref<1x56x16xf32, #tpu.memory_space<vmem>>, vector<1x1x16xf32>
    %get3A_1227 = vector.shape_cast %get3A_1226 : vector<1x1x16xf32> to vector<1x16xf32>
    %mul3A_1228 = vector.broadcast %get3A_1227 : vector<1x16xf32> to vector<512x16xf32>
    %mul3A_1229 = arith.mulf %slice3A_1222, %mul3A_1228 : vector<512x16xf32>
    %swap3A_1230 = arith.constant 0 : index
    %swap3A_1231 = arith.constant 37 : index
    %swap3A_1232 = arith.constant 0 : index
    %swap3A_1233 = arith.constant 0 : index
    %swap3A_1234 = vector.load %arg5[%swap3A_1230, %swap3A_1231, %swap3A_1232, %swap3A_1233] : memref<1x56x512x16xf32, #tpu.memory_space<vmem>>, vector<1x1x512x16xf32>
    %swap3A_1235 = vector.shape_cast %swap3A_1234 : vector<1x1x512x16xf32> to vector<512x16xf32>
    %swap3A_1236 = vector.shape_cast %mul3A_1229 : vector<512x16xf32> to vector<1x1x512x16xf32>
    tpu.vector_store %arg5[%swap3A_1230, %swap3A_1231, %swap3A_1232, %swap3A_1233], %swap3A_1236 {strides = array<i32>} : memref<1x56x512x16xf32, #tpu.memory_space<vmem>>, vector<1x1x512x16xf32>,
    %slice3A_1237 = vector.extract_strided_slice %select_n3A_1146 {offsets = [0, 96], sizes = [512, 16], strides = [1, 1]} : vector<512x128xf32> to vector<512x16xf32>
    %get3A_1238 = arith.constant 0 : index
    %get3A_1239 = arith.constant 38 : index
    %get3A_1240 = arith.constant 0 : index
    %get3A_1241 = vector.load %arg3[%get3A_1238, %get3A_1239, %get3A_1240] : memref<1x56x16xf32, #tpu.memory_space<vmem>>, vector<1x1x16xf32>
    %get3A_1242 = vector.shape_cast %get3A_1241 : vector<1x1x16xf32> to vector<1x16xf32>
    %mul3A_1243 = vector.broadcast %get3A_1242 : vector<1x16xf32> to vector<512x16xf32>
    %mul3A_1244 = arith.mulf %slice3A_1237, %mul3A_1243 : vector<512x16xf32>
    %swap3A_1245 = arith.constant 0 : index
    %swap3A_1246 = arith.constant 38 : index
    %swap3A_1247 = arith.constant 0 : index
    %swap3A_1248 = arith.constant 0 : index
    %swap3A_1249 = vector.load %arg5[%swap3A_1245, %swap3A_1246, %swap3A_1247, %swap3A_1248] : memref<1x56x512x16xf32, #tpu.memory_space<vmem>>, vector<1x1x512x16xf32>
    %swap3A_1250 = vector.shape_cast %swap3A_1249 : vector<1x1x512x16xf32> to vector<512x16xf32>
    %swap3A_1251 = vector.shape_cast %mul3A_1244 : vector<512x16xf32> to vector<1x1x512x16xf32>
    tpu.vector_store %arg5[%swap3A_1245, %swap3A_1246, %swap3A_1247, %swap3A_1248], %swap3A_1251 {strides = array<i32>} : memref<1x56x512x16xf32, #tpu.memory_space<vmem>>, vector<1x1x512x16xf32>,
    %slice3A_1252 = vector.extract_strided_slice %select_n3A_1146 {offsets = [0, 112], sizes = [512, 16], strides = [1, 1]} : vector<512x128xf32> to vector<512x16xf32>
    %get3A_1253 = arith.constant 0 : index
    %get3A_1254 = arith.constant 39 : index
    %get3A_1255 = arith.constant 0 : index
    %get3A_1256 = vector.load %arg3[%get3A_1253, %get3A_1254, %get3A_1255] : memref<1x56x16xf32, #tpu.memory_space<vmem>>, vector<1x1x16xf32>
    %get3A_1257 = vector.shape_cast %get3A_1256 : vector<1x1x16xf32> to vector<1x16xf32>
    %mul3A_1258 = vector.broadcast %get3A_1257 : vector<1x16xf32> to vector<512x16xf32>
    %mul3A_1259 = arith.mulf %slice3A_1252, %mul3A_1258 : vector<512x16xf32>
    %swap3A_1260 = arith.constant 0 : index
    %swap3A_1261 = arith.constant 39 : index
    %swap3A_1262 = arith.constant 0 : index
    %swap3A_1263 = arith.constant 0 : index
    %swap3A_1264 = vector.load %arg5[%swap3A_1260, %swap3A_1261, %swap3A_1262, %swap3A_1263] : memref<1x56x512x16xf32, #tpu.memory_space<vmem>>, vector<1x1x512x16xf32>
    %swap3A_1265 = vector.shape_cast %swap3A_1264 : vector<1x1x512x16xf32> to vector<512x16xf32>
    %swap3A_1266 = vector.shape_cast %mul3A_1259 : vector<512x16xf32> to vector<1x1x512x16xf32>
    tpu.vector_store %arg5[%swap3A_1260, %swap3A_1261, %swap3A_1262, %swap3A_1263], %swap3A_1266 {strides = array<i32>} : memref<1x56x512x16xf32, #tpu.memory_space<vmem>>, vector<1x1x512x16xf32>,
    %slice3A_1267 = vector.extract_strided_slice %select_n3A_634 {offsets = [5, 0, 0], sizes = [1, 1, 128], strides = [1, 1, 1]} : vector<7x1x128xi32> to vector<1x1x128xi32>
    %squeeze3A_1268 = vector.shape_cast %slice3A_1267 : vector<1x1x128xi32> to vector<1x128xi32>
    %ge3A_1269 = vector.broadcast %squeeze3A_1268 : vector<1x128xi32> to vector<512x128xi32>
    %ge3A_1270 = arith.cmpi sge, %bitcast_convert_type3A_90, %ge3A_1269 : vector<512x128xi32>
    %jit3A_1271 = arith.constant 0.000000e+00 : f32
    %broadcast_in_dim3A_1272 = vector.broadcast %jit3A_1271 : f32 to vector<512x128xf32>
    %select_n3A_1273 = arith.select %ge3A_1270, %mul3A_88, %broadcast_in_dim3A_1272 : vector<512x128xi1>, vector<512x128xf32>
    %slice3A_1274 = vector.extract_strided_slice %select_n3A_1273 {offsets = [0, 0], sizes = [512, 16], strides = [1, 1]} : vector<512x128xf32> to vector<512x16xf32>
    %get3A_1275 = arith.constant 0 : index
    %get3A_1276 = arith.constant 40 : index
    %get3A_1277 = arith.constant 0 : index
    %get3A_1278 = vector.load %arg3[%get3A_1275, %get3A_1276, %get3A_1277] : memref<1x56x16xf32, #tpu.memory_space<vmem>>, vector<1x1x16xf32>
    %get3A_1279 = vector.shape_cast %get3A_1278 : vector<1x1x16xf32> to vector<1x16xf32>
    %mul3A_1280 = vector.broadcast %get3A_1279 : vector<1x16xf32> to vector<512x16xf32>
    %mul3A_1281 = arith.mulf %slice3A_1274, %mul3A_1280 : vector<512x16xf32>
    %swap3A_1282 = arith.constant 0 : index
    %swap3A_1283 = arith.constant 40 : index
    %swap3A_1284 = arith.constant 0 : index
    %swap3A_1285 = arith.constant 0 : index
    %swap3A_1286 = vector.load %arg5[%swap3A_1282, %swap3A_1283, %swap3A_1284, %swap3A_1285] : memref<1x56x512x16xf32, #tpu.memory_space<vmem>>, vector<1x1x512x16xf32>
    %swap3A_1287 = vector.shape_cast %swap3A_1286 : vector<1x1x512x16xf32> to vector<512x16xf32>
    %swap3A_1288 = vector.shape_cast %mul3A_1281 : vector<512x16xf32> to vector<1x1x512x16xf32>
    tpu.vector_store %arg5[%swap3A_1282, %swap3A_1283, %swap3A_1284, %swap3A_1285], %swap3A_1288 {strides = array<i32>} : memref<1x56x512x16xf32, #tpu.memory_space<vmem>>, vector<1x1x512x16xf32>,
    %slice3A_1289 = vector.extract_strided_slice %select_n3A_1273 {offsets = [0, 16], sizes = [512, 16], strides = [1, 1]} : vector<512x128xf32> to vector<512x16xf32>
    %get3A_1290 = arith.constant 0 : index
    %get3A_1291 = arith.constant 41 : index
    %get3A_1292 = arith.constant 0 : index
    %get3A_1293 = vector.load %arg3[%get3A_1290, %get3A_1291, %get3A_1292] : memref<1x56x16xf32, #tpu.memory_space<vmem>>, vector<1x1x16xf32>
    %get3A_1294 = vector.shape_cast %get3A_1293 : vector<1x1x16xf32> to vector<1x16xf32>
    %mul3A_1295 = vector.broadcast %get3A_1294 : vector<1x16xf32> to vector<512x16xf32>
    %mul3A_1296 = arith.mulf %slice3A_1289, %mul3A_1295 : vector<512x16xf32>
    %swap3A_1297 = arith.constant 0 : index
    %swap3A_1298 = arith.constant 41 : index
    %swap3A_1299 = arith.constant 0 : index
    %swap3A_1300 = arith.constant 0 : index
    %swap3A_1301 = vector.load %arg5[%swap3A_1297, %swap3A_1298, %swap3A_1299, %swap3A_1300] : memref<1x56x512x16xf32, #tpu.memory_space<vmem>>, vector<1x1x512x16xf32>
    %swap3A_1302 = vector.shape_cast %swap3A_1301 : vector<1x1x512x16xf32> to vector<512x16xf32>
    %swap3A_1303 = vector.shape_cast %mul3A_1296 : vector<512x16xf32> to vector<1x1x512x16xf32>
    tpu.vector_store %arg5[%swap3A_1297, %swap3A_1298, %swap3A_1299, %swap3A_1300], %swap3A_1303 {strides = array<i32>} : memref<1x56x512x16xf32, #tpu.memory_space<vmem>>, vector<1x1x512x16xf32>,
    %slice3A_1304 = vector.extract_strided_slice %select_n3A_1273 {offsets = [0, 32], sizes = [512, 16], strides = [1, 1]} : vector<512x128xf32> to vector<512x16xf32>
    %get3A_1305 = arith.constant 0 : index
    %get3A_1306 = arith.constant 42 : index
    %get3A_1307 = arith.constant 0 : index
    %get3A_1308 = vector.load %arg3[%get3A_1305, %get3A_1306, %get3A_1307] : memref<1x56x16xf32, #tpu.memory_space<vmem>>, vector<1x1x16xf32>
    %get3A_1309 = vector.shape_cast %get3A_1308 : vector<1x1x16xf32> to vector<1x16xf32>
    %mul3A_1310 = vector.broadcast %get3A_1309 : vector<1x16xf32> to vector<512x16xf32>
    %mul3A_1311 = arith.mulf %slice3A_1304, %mul3A_1310 : vector<512x16xf32>
    %swap3A_1312 = arith.constant 0 : index
    %swap3A_1313 = arith.constant 42 : index
    %swap3A_1314 = arith.constant 0 : index
    %swap3A_1315 = arith.constant 0 : index
    %swap3A_1316 = vector.load %arg5[%swap3A_1312, %swap3A_1313, %swap3A_1314, %swap3A_1315] : memref<1x56x512x16xf32, #tpu.memory_space<vmem>>, vector<1x1x512x16xf32>
    %swap3A_1317 = vector.shape_cast %swap3A_1316 : vector<1x1x512x16xf32> to vector<512x16xf32>
    %swap3A_1318 = vector.shape_cast %mul3A_1311 : vector<512x16xf32> to vector<1x1x512x16xf32>
    tpu.vector_store %arg5[%swap3A_1312, %swap3A_1313, %swap3A_1314, %swap3A_1315], %swap3A_1318 {strides = array<i32>} : memref<1x56x512x16xf32, #tpu.memory_space<vmem>>, vector<1x1x512x16xf32>,
    %slice3A_1319 = vector.extract_strided_slice %select_n3A_1273 {offsets = [0, 48], sizes = [512, 16], strides = [1, 1]} : vector<512x128xf32> to vector<512x16xf32>
    %get3A_1320 = arith.constant 0 : index
    %get3A_1321 = arith.constant 43 : index
    %get3A_1322 = arith.constant 0 : index
    %get3A_1323 = vector.load %arg3[%get3A_1320, %get3A_1321, %get3A_1322] : memref<1x56x16xf32, #tpu.memory_space<vmem>>, vector<1x1x16xf32>
    %get3A_1324 = vector.shape_cast %get3A_1323 : vector<1x1x16xf32> to vector<1x16xf32>
    %mul3A_1325 = vector.broadcast %get3A_1324 : vector<1x16xf32> to vector<512x16xf32>
    %mul3A_1326 = arith.mulf %slice3A_1319, %mul3A_1325 : vector<512x16xf32>
    %swap3A_1327 = arith.constant 0 : index
    %swap3A_1328 = arith.constant 43 : index
    %swap3A_1329 = arith.constant 0 : index
    %swap3A_1330 = arith.constant 0 : index
    %swap3A_1331 = vector.load %arg5[%swap3A_1327, %swap3A_1328, %swap3A_1329, %swap3A_1330] : memref<1x56x512x16xf32, #tpu.memory_space<vmem>>, vector<1x1x512x16xf32>
    %swap3A_1332 = vector.shape_cast %swap3A_1331 : vector<1x1x512x16xf32> to vector<512x16xf32>
    %swap3A_1333 = vector.shape_cast %mul3A_1326 : vector<512x16xf32> to vector<1x1x512x16xf32>
    tpu.vector_store %arg5[%swap3A_1327, %swap3A_1328, %swap3A_1329, %swap3A_1330], %swap3A_1333 {strides = array<i32>} : memref<1x56x512x16xf32, #tpu.memory_space<vmem>>, vector<1x1x512x16xf32>,
    %slice3A_1334 = vector.extract_strided_slice %select_n3A_1273 {offsets = [0, 64], sizes = [512, 16], strides = [1, 1]} : vector<512x128xf32> to vector<512x16xf32>
    %get3A_1335 = arith.constant 0 : index
    %get3A_1336 = arith.constant 44 : index
    %get3A_1337 = arith.constant 0 : index
    %get3A_1338 = vector.load %arg3[%get3A_1335, %get3A_1336, %get3A_1337] : memref<1x56x16xf32, #tpu.memory_space<vmem>>, vector<1x1x16xf32>
    %get3A_1339 = vector.shape_cast %get3A_1338 : vector<1x1x16xf32> to vector<1x16xf32>
    %mul3A_1340 = vector.broadcast %get3A_1339 : vector<1x16xf32> to vector<512x16xf32>
    %mul3A_1341 = arith.mulf %slice3A_1334, %mul3A_1340 : vector<512x16xf32>
    %swap3A_1342 = arith.constant 0 : index
    %swap3A_1343 = arith.constant 44 : index
    %swap3A_1344 = arith.constant 0 : index
    %swap3A_1345 = arith.constant 0 : index
    %swap3A_1346 = vector.load %arg5[%swap3A_1342, %swap3A_1343, %swap3A_1344, %swap3A_1345] : memref<1x56x512x16xf32, #tpu.memory_space<vmem>>, vector<1x1x512x16xf32>
    %swap3A_1347 = vector.shape_cast %swap3A_1346 : vector<1x1x512x16xf32> to vector<512x16xf32>
    %swap3A_1348 = vector.shape_cast %mul3A_1341 : vector<512x16xf32> to vector<1x1x512x16xf32>
    tpu.vector_store %arg5[%swap3A_1342, %swap3A_1343, %swap3A_1344, %swap3A_1345], %swap3A_1348 {strides = array<i32>} : memref<1x56x512x16xf32, #tpu.memory_space<vmem>>, vector<1x1x512x16xf32>,
    %slice3A_1349 = vector.extract_strided_slice %select_n3A_1273 {offsets = [0, 80], sizes = [512, 16], strides = [1, 1]} : vector<512x128xf32> to vector<512x16xf32>
    %get3A_1350 = arith.constant 0 : index
    %get3A_1351 = arith.constant 45 : index
    %get3A_1352 = arith.constant 0 : index
    %get3A_1353 = vector.load %arg3[%get3A_1350, %get3A_1351, %get3A_1352] : memref<1x56x16xf32, #tpu.memory_space<vmem>>, vector<1x1x16xf32>
    %get3A_1354 = vector.shape_cast %get3A_1353 : vector<1x1x16xf32> to vector<1x16xf32>
    %mul3A_1355 = vector.broadcast %get3A_1354 : vector<1x16xf32> to vector<512x16xf32>
    %mul3A_1356 = arith.mulf %slice3A_1349, %mul3A_1355 : vector<512x16xf32>
    %swap3A_1357 = arith.constant 0 : index
    %swap3A_1358 = arith.constant 45 : index
    %swap3A_1359 = arith.constant 0 : index
    %swap3A_1360 = arith.constant 0 : index
    %swap3A_1361 = vector.load %arg5[%swap3A_1357, %swap3A_1358, %swap3A_1359, %swap3A_1360] : memref<1x56x512x16xf32, #tpu.memory_space<vmem>>, vector<1x1x512x16xf32>
    %swap3A_1362 = vector.shape_cast %swap3A_1361 : vector<1x1x512x16xf32> to vector<512x16xf32>
    %swap3A_1363 = vector.shape_cast %mul3A_1356 : vector<512x16xf32> to vector<1x1x512x16xf32>
    tpu.vector_store %arg5[%swap3A_1357, %swap3A_1358, %swap3A_1359, %swap3A_1360], %swap3A_1363 {strides = array<i32>} : memref<1x56x512x16xf32, #tpu.memory_space<vmem>>, vector<1x1x512x16xf32>,
    %slice3A_1364 = vector.extract_strided_slice %select_n3A_1273 {offsets = [0, 96], sizes = [512, 16], strides = [1, 1]} : vector<512x128xf32> to vector<512x16xf32>
    %get3A_1365 = arith.constant 0 : index
    %get3A_1366 = arith.constant 46 : index
    %get3A_1367 = arith.constant 0 : index
    %get3A_1368 = vector.load %arg3[%get3A_1365, %get3A_1366, %get3A_1367] : memref<1x56x16xf32, #tpu.memory_space<vmem>>, vector<1x1x16xf32>
    %get3A_1369 = vector.shape_cast %get3A_1368 : vector<1x1x16xf32> to vector<1x16xf32>
    %mul3A_1370 = vector.broadcast %get3A_1369 : vector<1x16xf32> to vector<512x16xf32>
    %mul3A_1371 = arith.mulf %slice3A_1364, %mul3A_1370 : vector<512x16xf32>
    %swap3A_1372 = arith.constant 0 : index
    %swap3A_1373 = arith.constant 46 : index
    %swap3A_1374 = arith.constant 0 : index
    %swap3A_1375 = arith.constant 0 : index
    %swap3A_1376 = vector.load %arg5[%swap3A_1372, %swap3A_1373, %swap3A_1374, %swap3A_1375] : memref<1x56x512x16xf32, #tpu.memory_space<vmem>>, vector<1x1x512x16xf32>
    %swap3A_1377 = vector.shape_cast %swap3A_1376 : vector<1x1x512x16xf32> to vector<512x16xf32>
    %swap3A_1378 = vector.shape_cast %mul3A_1371 : vector<512x16xf32> to vector<1x1x512x16xf32>
    tpu.vector_store %arg5[%swap3A_1372, %swap3A_1373, %swap3A_1374, %swap3A_1375], %swap3A_1378 {strides = array<i32>} : memref<1x56x512x16xf32, #tpu.memory_space<vmem>>, vector<1x1x512x16xf32>,
    %slice3A_1379 = vector.extract_strided_slice %select_n3A_1273 {offsets = [0, 112], sizes = [512, 16], strides = [1, 1]} : vector<512x128xf32> to vector<512x16xf32>
    %get3A_1380 = arith.constant 0 : index
    %get3A_1381 = arith.constant 47 : index
    %get3A_1382 = arith.constant 0 : index
    %get3A_1383 = vector.load %arg3[%get3A_1380, %get3A_1381, %get3A_1382] : memref<1x56x16xf32, #tpu.memory_space<vmem>>, vector<1x1x16xf32>
    %get3A_1384 = vector.shape_cast %get3A_1383 : vector<1x1x16xf32> to vector<1x16xf32>
    %mul3A_1385 = vector.broadcast %get3A_1384 : vector<1x16xf32> to vector<512x16xf32>
    %mul3A_1386 = arith.mulf %slice3A_1379, %mul3A_1385 : vector<512x16xf32>
    %swap3A_1387 = arith.constant 0 : index
    %swap3A_1388 = arith.constant 47 : index
    %swap3A_1389 = arith.constant 0 : index
    %swap3A_1390 = arith.constant 0 : index
    %swap3A_1391 = vector.load %arg5[%swap3A_1387, %swap3A_1388, %swap3A_1389, %swap3A_1390] : memref<1x56x512x16xf32, #tpu.memory_space<vmem>>, vector<1x1x512x16xf32>
    %swap3A_1392 = vector.shape_cast %swap3A_1391 : vector<1x1x512x16xf32> to vector<512x16xf32>
    %swap3A_1393 = vector.shape_cast %mul3A_1386 : vector<512x16xf32> to vector<1x1x512x16xf32>
    tpu.vector_store %arg5[%swap3A_1387, %swap3A_1388, %swap3A_1389, %swap3A_1390], %swap3A_1393 {strides = array<i32>} : memref<1x56x512x16xf32, #tpu.memory_space<vmem>>, vector<1x1x512x16xf32>,
    %slice3A_1394 = vector.extract_strided_slice %select_n3A_634 {offsets = [6, 0, 0], sizes = [1, 1, 128], strides = [1, 1, 1]} : vector<7x1x128xi32> to vector<1x1x128xi32>
    %squeeze3A_1395 = vector.shape_cast %slice3A_1394 : vector<1x1x128xi32> to vector<1x128xi32>
    %ge3A_1396 = vector.broadcast %squeeze3A_1395 : vector<1x128xi32> to vector<512x128xi32>
    %ge3A_1397 = arith.cmpi sge, %bitcast_convert_type3A_106, %ge3A_1396 : vector<512x128xi32>
    %jit3A_1398 = arith.constant 0.000000e+00 : f32
    %broadcast_in_dim3A_1399 = vector.broadcast %jit3A_1398 : f32 to vector<512x128xf32>
    %select_n3A_1400 = arith.select %ge3A_1397, %mul3A_104, %broadcast_in_dim3A_1399 : vector<512x128xi1>, vector<512x128xf32>
    %slice3A_1401 = vector.extract_strided_slice %select_n3A_1400 {offsets = [0, 0], sizes = [512, 16], strides = [1, 1]} : vector<512x128xf32> to vector<512x16xf32>
    %get3A_1402 = arith.constant 0 : index
    %get3A_1403 = arith.constant 48 : index
    %get3A_1404 = arith.constant 0 : index
    %get3A_1405 = vector.load %arg3[%get3A_1402, %get3A_1403, %get3A_1404] : memref<1x56x16xf32, #tpu.memory_space<vmem>>, vector<1x1x16xf32>
    %get3A_1406 = vector.shape_cast %get3A_1405 : vector<1x1x16xf32> to vector<1x16xf32>
    %mul3A_1407 = vector.broadcast %get3A_1406 : vector<1x16xf32> to vector<512x16xf32>
    %mul3A_1408 = arith.mulf %slice3A_1401, %mul3A_1407 : vector<512x16xf32>
    %swap3A_1409 = arith.constant 0 : index
    %swap3A_1410 = arith.constant 48 : index
    %swap3A_1411 = arith.constant 0 : index
    %swap3A_1412 = arith.constant 0 : index
    %swap3A_1413 = vector.load %arg5[%swap3A_1409, %swap3A_1410, %swap3A_1411, %swap3A_1412] : memref<1x56x512x16xf32, #tpu.memory_space<vmem>>, vector<1x1x512x16xf32>
    %swap3A_1414 = vector.shape_cast %swap3A_1413 : vector<1x1x512x16xf32> to vector<512x16xf32>
    %swap3A_1415 = vector.shape_cast %mul3A_1408 : vector<512x16xf32> to vector<1x1x512x16xf32>
    tpu.vector_store %arg5[%swap3A_1409, %swap3A_1410, %swap3A_1411, %swap3A_1412], %swap3A_1415 {strides = array<i32>} : memref<1x56x512x16xf32, #tpu.memory_space<vmem>>, vector<1x1x512x16xf32>,
    %slice3A_1416 = vector.extract_strided_slice %select_n3A_1400 {offsets = [0, 16], sizes = [512, 16], strides = [1, 1]} : vector<512x128xf32> to vector<512x16xf32>
    %get3A_1417 = arith.constant 0 : index
    %get3A_1418 = arith.constant 49 : index
    %get3A_1419 = arith.constant 0 : index
    %get3A_1420 = vector.load %arg3[%get3A_1417, %get3A_1418, %get3A_1419] : memref<1x56x16xf32, #tpu.memory_space<vmem>>, vector<1x1x16xf32>
    %get3A_1421 = vector.shape_cast %get3A_1420 : vector<1x1x16xf32> to vector<1x16xf32>
    %mul3A_1422 = vector.broadcast %get3A_1421 : vector<1x16xf32> to vector<512x16xf32>
    %mul3A_1423 = arith.mulf %slice3A_1416, %mul3A_1422 : vector<512x16xf32>
    %swap3A_1424 = arith.constant 0 : index
    %swap3A_1425 = arith.constant 49 : index
    %swap3A_1426 = arith.constant 0 : index
    %swap3A_1427 = arith.constant 0 : index
    %swap3A_1428 = vector.load %arg5[%swap3A_1424, %swap3A_1425, %swap3A_1426, %swap3A_1427] : memref<1x56x512x16xf32, #tpu.memory_space<vmem>>, vector<1x1x512x16xf32>
    %swap3A_1429 = vector.shape_cast %swap3A_1428 : vector<1x1x512x16xf32> to vector<512x16xf32>
    %swap3A_1430 = vector.shape_cast %mul3A_1423 : vector<512x16xf32> to vector<1x1x512x16xf32>
    tpu.vector_store %arg5[%swap3A_1424, %swap3A_1425, %swap3A_1426, %swap3A_1427], %swap3A_1430 {strides = array<i32>} : memref<1x56x512x16xf32, #tpu.memory_space<vmem>>, vector<1x1x512x16xf32>,
    %slice3A_1431 = vector.extract_strided_slice %select_n3A_1400 {offsets = [0, 32], sizes = [512, 16], strides = [1, 1]} : vector<512x128xf32> to vector<512x16xf32>
    %get3A_1432 = arith.constant 0 : index
    %get3A_1433 = arith.constant 50 : index
    %get3A_1434 = arith.constant 0 : index
    %get3A_1435 = vector.load %arg3[%get3A_1432, %get3A_1433, %get3A_1434] : memref<1x56x16xf32, #tpu.memory_space<vmem>>, vector<1x1x16xf32>
    %get3A_1436 = vector.shape_cast %get3A_1435 : vector<1x1x16xf32> to vector<1x16xf32>
    %mul3A_1437 = vector.broadcast %get3A_1436 : vector<1x16xf32> to vector<512x16xf32>
    %mul3A_1438 = arith.mulf %slice3A_1431, %mul3A_1437 : vector<512x16xf32>
    %swap3A_1439 = arith.constant 0 : index
    %swap3A_1440 = arith.constant 50 : index
    %swap3A_1441 = arith.constant 0 : index
    %swap3A_1442 = arith.constant 0 : index
    %swap3A_1443 = vector.load %arg5[%swap3A_1439, %swap3A_1440, %swap3A_1441, %swap3A_1442] : memref<1x56x512x16xf32, #tpu.memory_space<vmem>>, vector<1x1x512x16xf32>
    %swap3A_1444 = vector.shape_cast %swap3A_1443 : vector<1x1x512x16xf32> to vector<512x16xf32>
    %swap3A_1445 = vector.shape_cast %mul3A_1438 : vector<512x16xf32> to vector<1x1x512x16xf32>
    tpu.vector_store %arg5[%swap3A_1439, %swap3A_1440, %swap3A_1441, %swap3A_1442], %swap3A_1445 {strides = array<i32>} : memref<1x56x512x16xf32, #tpu.memory_space<vmem>>, vector<1x1x512x16xf32>,
    %slice3A_1446 = vector.extract_strided_slice %select_n3A_1400 {offsets = [0, 48], sizes = [512, 16], strides = [1, 1]} : vector<512x128xf32> to vector<512x16xf32>
    %get3A_1447 = arith.constant 0 : index
    %get3A_1448 = arith.constant 51 : index
    %get3A_1449 = arith.constant 0 : index
    %get3A_1450 = vector.load %arg3[%get3A_1447, %get3A_1448, %get3A_1449] : memref<1x56x16xf32, #tpu.memory_space<vmem>>, vector<1x1x16xf32>
    %get3A_1451 = vector.shape_cast %get3A_1450 : vector<1x1x16xf32> to vector<1x16xf32>
    %mul3A_1452 = vector.broadcast %get3A_1451 : vector<1x16xf32> to vector<512x16xf32>
    %mul3A_1453 = arith.mulf %slice3A_1446, %mul3A_1452 : vector<512x16xf32>
    %swap3A_1454 = arith.constant 0 : index
    %swap3A_1455 = arith.constant 51 : index
    %swap3A_1456 = arith.constant 0 : index
    %swap3A_1457 = arith.constant 0 : index
    %swap3A_1458 = vector.load %arg5[%swap3A_1454, %swap3A_1455, %swap3A_1456, %swap3A_1457] : memref<1x56x512x16xf32, #tpu.memory_space<vmem>>, vector<1x1x512x16xf32>
    %swap3A_1459 = vector.shape_cast %swap3A_1458 : vector<1x1x512x16xf32> to vector<512x16xf32>
    %swap3A_1460 = vector.shape_cast %mul3A_1453 : vector<512x16xf32> to vector<1x1x512x16xf32>
    tpu.vector_store %arg5[%swap3A_1454, %swap3A_1455, %swap3A_1456, %swap3A_1457], %swap3A_1460 {strides = array<i32>} : memref<1x56x512x16xf32, #tpu.memory_space<vmem>>, vector<1x1x512x16xf32>,
    %slice3A_1461 = vector.extract_strided_slice %select_n3A_1400 {offsets = [0, 64], sizes = [512, 16], strides = [1, 1]} : vector<512x128xf32> to vector<512x16xf32>
    %get3A_1462 = arith.constant 0 : index
    %get3A_1463 = arith.constant 52 : index
    %get3A_1464 = arith.constant 0 : index
    %get3A_1465 = vector.load %arg3[%get3A_1462, %get3A_1463, %get3A_1464] : memref<1x56x16xf32, #tpu.memory_space<vmem>>, vector<1x1x16xf32>
    %get3A_1466 = vector.shape_cast %get3A_1465 : vector<1x1x16xf32> to vector<1x16xf32>
    %mul3A_1467 = vector.broadcast %get3A_1466 : vector<1x16xf32> to vector<512x16xf32>
    %mul3A_1468 = arith.mulf %slice3A_1461, %mul3A_1467 : vector<512x16xf32>
    %swap3A_1469 = arith.constant 0 : index
    %swap3A_1470 = arith.constant 52 : index
    %swap3A_1471 = arith.constant 0 : index
    %swap3A_1472 = arith.constant 0 : index
    %swap3A_1473 = vector.load %arg5[%swap3A_1469, %swap3A_1470, %swap3A_1471, %swap3A_1472] : memref<1x56x512x16xf32, #tpu.memory_space<vmem>>, vector<1x1x512x16xf32>
    %swap3A_1474 = vector.shape_cast %swap3A_1473 : vector<1x1x512x16xf32> to vector<512x16xf32>
    %swap3A_1475 = vector.shape_cast %mul3A_1468 : vector<512x16xf32> to vector<1x1x512x16xf32>
    tpu.vector_store %arg5[%swap3A_1469, %swap3A_1470, %swap3A_1471, %swap3A_1472], %swap3A_1475 {strides = array<i32>} : memref<1x56x512x16xf32, #tpu.memory_space<vmem>>, vector<1x1x512x16xf32>,
    %slice3A_1476 = vector.extract_strided_slice %select_n3A_1400 {offsets = [0, 80], sizes = [512, 16], strides = [1, 1]} : vector<512x128xf32> to vector<512x16xf32>
    %get3A_1477 = arith.constant 0 : index
    %get3A_1478 = arith.constant 53 : index
    %get3A_1479 = arith.constant 0 : index
    %get3A_1480 = vector.load %arg3[%get3A_1477, %get3A_1478, %get3A_1479] : memref<1x56x16xf32, #tpu.memory_space<vmem>>, vector<1x1x16xf32>
    %get3A_1481 = vector.shape_cast %get3A_1480 : vector<1x1x16xf32> to vector<1x16xf32>
    %mul3A_1482 = vector.broadcast %get3A_1481 : vector<1x16xf32> to vector<512x16xf32>
    %mul3A_1483 = arith.mulf %slice3A_1476, %mul3A_1482 : vector<512x16xf32>
    %swap3A_1484 = arith.constant 0 : index
    %swap3A_1485 = arith.constant 53 : index
    %swap3A_1486 = arith.constant 0 : index
    %swap3A_1487 = arith.constant 0 : index
    %swap3A_1488 = vector.load %arg5[%swap3A_1484, %swap3A_1485, %swap3A_1486, %swap3A_1487] : memref<1x56x512x16xf32, #tpu.memory_space<vmem>>, vector<1x1x512x16xf32>
    %swap3A_1489 = vector.shape_cast %swap3A_1488 : vector<1x1x512x16xf32> to vector<512x16xf32>
    %swap3A_1490 = vector.shape_cast %mul3A_1483 : vector<512x16xf32> to vector<1x1x512x16xf32>
    tpu.vector_store %arg5[%swap3A_1484, %swap3A_1485, %swap3A_1486, %swap3A_1487], %swap3A_1490 {strides = array<i32>} : memref<1x56x512x16xf32, #tpu.memory_space<vmem>>, vector<1x1x512x16xf32>,
    %slice3A_1491 = vector.extract_strided_slice %select_n3A_1400 {offsets = [0, 96], sizes = [512, 16], strides = [1, 1]} : vector<512x128xf32> to vector<512x16xf32>
    %get3A_1492 = arith.constant 0 : index
    %get3A_1493 = arith.constant 54 : index
    %get3A_1494 = arith.constant 0 : index
    %get3A_1495 = vector.load %arg3[%get3A_1492, %get3A_1493, %get3A_1494] : memref<1x56x16xf32, #tpu.memory_space<vmem>>, vector<1x1x16xf32>
    %get3A_1496 = vector.shape_cast %get3A_1495 : vector<1x1x16xf32> to vector<1x16xf32>
    %mul3A_1497 = vector.broadcast %get3A_1496 : vector<1x16xf32> to vector<512x16xf32>
    %mul3A_1498 = arith.mulf %slice3A_1491, %mul3A_1497 : vector<512x16xf32>
    %swap3A_1499 = arith.constant 0 : index
    %swap3A_1500 = arith.constant 54 : index
    %swap3A_1501 = arith.constant 0 : index
    %swap3A_1502 = arith.constant 0 : index
    %swap3A_1503 = vector.load %arg5[%swap3A_1499, %swap3A_1500, %swap3A_1501, %swap3A_1502] : memref<1x56x512x16xf32, #tpu.memory_space<vmem>>, vector<1x1x512x16xf32>
    %swap3A_1504 = vector.shape_cast %swap3A_1503 : vector<1x1x512x16xf32> to vector<512x16xf32>
    %swap3A_1505 = vector.shape_cast %mul3A_1498 : vector<512x16xf32> to vector<1x1x512x16xf32>
    tpu.vector_store %arg5[%swap3A_1499, %swap3A_1500, %swap3A_1501, %swap3A_1502], %swap3A_1505 {strides = array<i32>} : memref<1x56x512x16xf32, #tpu.memory_space<vmem>>, vector<1x1x512x16xf32>,
    %slice3A_1506 = vector.extract_strided_slice %select_n3A_1400 {offsets = [0, 112], sizes = [512, 16], strides = [1, 1]} : vector<512x128xf32> to vector<512x16xf32>
    %get3A_1507 = arith.constant 0 : index
    %get3A_1508 = arith.constant 55 : index
    %get3A_1509 = arith.constant 0 : index
    %get3A_1510 = vector.load %arg3[%get3A_1507, %get3A_1508, %get3A_1509] : memref<1x56x16xf32, #tpu.memory_space<vmem>>, vector<1x1x16xf32>
    %get3A_1511 = vector.shape_cast %get3A_1510 : vector<1x1x16xf32> to vector<1x16xf32>
    %mul3A_1512 = vector.broadcast %get3A_1511 : vector<1x16xf32> to vector<512x16xf32>
    %mul3A_1513 = arith.mulf %slice3A_1506, %mul3A_1512 : vector<512x16xf32>
    %swap3A_1514 = arith.constant 0 : index
    %swap3A_1515 = arith.constant 55 : index
    %swap3A_1516 = arith.constant 0 : index
    %swap3A_1517 = arith.constant 0 : index
    %swap3A_1518 = vector.load %arg5[%swap3A_1514, %swap3A_1515, %swap3A_1516, %swap3A_1517] : memref<1x56x512x16xf32, #tpu.memory_space<vmem>>, vector<1x1x512x16xf32>
    %swap3A_1519 = vector.shape_cast %swap3A_1518 : vector<1x1x512x16xf32> to vector<512x16xf32>
    %swap3A_1520 = vector.shape_cast %mul3A_1513 : vector<512x16xf32> to vector<1x1x512x16xf32>
    tpu.vector_store %arg5[%swap3A_1514, %swap3A_1515, %swap3A_1516, %swap3A_1517], %swap3A_1520 {strides = array<i32>} : memref<1x56x512x16xf32, #tpu.memory_space<vmem>>, vector<1x1x512x16xf32>,
    return
  }
  func.func @transform_0(%arg0: i32) -> (i32, i32, i32) {
    %c0_i32 = arith.constant 0 : i32
    %c0_i32_0 = arith.constant 0 : i32
    %c0_i32_1 = arith.constant 0 : i32
    return %arg0, %c0_i32, %c0_i32_0 : i32, i32, i32
  }
  func.func @transform_1(%arg0: i32) -> (i32, i32) {
    %c0_i32 = arith.constant 0 : i32
    %c0_i32_0 = arith.constant 0 : i32
    %c0_i32_1 = arith.constant 0 : i32
    return %c0_i32, %c0_i32_0 : i32, i32
  }
  func.func @transform_2(%arg0: i32) -> (i32, i32, i32) {
    %c0_i32 = arith.constant 0 : i32
    %c0_i32_0 = arith.constant 0 : i32
    %c0_i32_1 = arith.constant 0 : i32
    return %arg0, %c0_i32, %c0_i32_0 : i32, i32, i32
  }
  func.func @transform_3(%arg0: i32) -> (i32, i32) {
    %c0_i32 = arith.constant 0 : i32
    %c0_i32_0 = arith.constant 0 : i32
    %c0_i32_1 = arith.constant 0 : i32
    return %c0_i32, %c0_i32_0 : i32, i32
  }
  func.func @transform_4(%arg0: i32) -> (i32, i32, i32, i32) {
    %c0_i32 = arith.constant 0 : i32
    %c0_i32_0 = arith.constant 0 : i32
    %c0_i32_1 = arith.constant 0 : i32
    %c0_i32_2 = arith.constant 0 : i32
    return %arg0, %c0_i32, %c0_i32_0, %c0_i32_1 : i32, i32, i32, i32
  }
}

</mosaic_0001>

<sc_bundles>
// kernel: sparse-core-data-format-call.cloned.1.call-start
scs
called_computation_lowered:
.L_overlay_start_0:
0x0: {  	s2 =	sld [smem:$0x3FD9]  }
0x1: {  	s3 =	sld [smem:$0x3FFE];
	_ =	sdelay $0x1  }
0x2: {  	s1 =	srdreg.scid  }
0x3: {  	s0 =	sand.u32 $0x1, s1  }
0x4: {  	s18 =	sshll.u32 s0, $0xA;
	s2 =	sadd.s32 s3, s2  }
0x5: {  	s2 =	sadd.s32 s2, s18  }
0x6: {  	[smem:$0x3FBF] =	sst s2  }
0x7: {  	_ = 	snop  }
0x8: {  	s2 =	sld [smem:$0x3FD0];
	(tm) =	ssettm $0x1  }
0x9: {  	s19 =	sld [smem:$0x3FFB];
	_ =	sdelay $0x3  }
0xa: {  	_ =	strace s19  }
0xb: {  	s3 =	sld [smem:$0x3FFC];
	_ =	sdelay $0x3  }
0xc: {  	_ =	strace s3  }
0xd: {  	s3 =	sld [smem:$0x3FFD];
	_ =	sdelay $0x3  }
0xe: {  	_ =	strace s3  }
0xf: {  	_ =	strace $0x8FFFFFFF  }
0x10: {  	s20 =	sld [smem:$0x3FDB];
	_ =	sdelay $0x1  }
0x11: {  	s4 =	simm.s32 $_scs_section_size  }
0x12: {  	s5 =	simm.s32 $_size__tile_overlayer_lowered;
	s6 =	simm.s32 $_tile_overlayer_lowered  }
0x13: {  	s23 =	simm.s32 $0x1BFF;
	s22 =	sshll.u32 s6, $0x1;
	s3 =	sadd.s32 s4, s20  }
0x14: {  	s7 =	simm.s32 $0x0;
	s21 =	sshll.u32 s5, $0x1;
	s5 =	sadd.s32 s22, s3  }
0x15: {  	[timem:s7], [sflag:s23] =	dma.local [hbm:s5], s21  }
0x16: {  	_ =	swait.ge [sflag:s23], s21  }
0x17: {  	s4 =	ssub.s32 $0x0, s21;
	[sflag:s23] =	ssyncset.done $0x0  }
0x18: {  	[sflag:s23] =	ssyncadd.s32 s4;
	_ =	sdelay $0x1  }
0x19: {  	s24 =	simm.s32 $0x1B8B  }
0x1a: {  	_ =	swait.ge [sflag:s24], $0x1  }
0x1b: {  	[sflag:s24] =	ssyncset.done $0x0  }
0x1c: {  	s26 =	simm.s32 $0x1B8E;
	s25 =	sld [smem:$0x3FFE];
	[sflag:s24] =	ssyncadd.s32 $0xFFFFFFFF  }
0x1d: {  	s27 =	simm.s32 $execute0_lowered;
	[smem:$0x3FD2] =	sst s26  }
0x1e: {  	s5 =	sshll.u32 s27, $0x1;
	_ =	strace $0x80000046;
	[dreg:$0x1] =	wrdreg $0xFFFFFFFF  }
0x1f: {  	s28 =	simm.s32 $_size_execute0_lowered;
	s3 =	sadd.s32 s3, s5;
	[dreg:$0x0] =	wrdreg $0x0  }
0x20: {  	s5 =	sshll.u32 s28, $0x1;
	[dreg:$0x2] =	wrdreg s3  }
0x21: {  	[dreg:$0x3] =	wrdreg s5  }
0x22: {  	[dreg:$0x4] =	wrdreg $0xC0  }
0x23: {  	_ =	task [dreg:s7], $0x5FFFF  }
0x24: {  	[dreg:$0x1] =	wrdreg $0xFFFFFFFF  }
0x25: {  	[dreg:$0x0] =	wrdreg $0x60  }
0x26: {  	[dreg:$0x2] =	wrdreg s25  }
0x27: {  	[dreg:$0x3] =	wrdreg s2  }
0x28: {  	[dreg:$0x4] =	wrdreg $0x9  }
0x29: {  	_ =	task.clear_ibuf [dreg:s7], $0x5FFFF;
	_ =	strace $0x90000046  }
0x2a: {  	s29 =	simm.s32 $0x9;
	_ =	strace $0x80000048  }
0x2b: {  	_ =	swait.ge [sflag:s29], $0x1  }
0x2c: {  	[sflag:s29] =	ssyncadd.s32 $0xFFFFFFFF  }
0x2d: {  	_ =	strace $0x90000048  }
0x2e: {  	_ =	sfence  }
0x2f: {  	s30 =	sld [smem:$0x0];
	_ =	sdelay $0x2  }
0x30: {  	s31 =	sshll.u32 s1, $0xD;
	s1 =	sshrl.u32 s1, $0x2  }
0x31: {  	s3 =	sand.u32 $0x4000, s31;
	s1 =	sadd.s32 s1, s30  }
0x32: {  	s0 =	sor.u32 s3, s0;
	s1 =	sshll.u32 s1, $0x11  }
0x33: {  	s0 =	sor.u32 s1, s0  }
0x34: {  	s0 =	sadd.s32 $0x8F2B, s0  }
0x35: {  	[sflag:s0] =	ssyncadd.remote.s32 $0x1  }
0x36: {  	_ =	sfence.sel $0xFFFF  }
0x37: {  	[dreg:$0x0] =	wrdreg $0xFFFFFFFF;
	(pc) =	sbr.abs _section_cstart, $3  }
0x38: {  	[dreg:$0x1] =	wrdreg $0xFFFFFFFF  }
0x39: {  	_ =	task.clear_ibuf [dreg:s7], $0x2FFFF;
	_ =	strace $0x9FFFFFFF  }
0x3a: {  	(tm) =	ssettm $0x7FFFFFFF  }
0x3b: {  	_ =	shalt  }
tec
execute0_lowered:
.L_overlay_start_1:
0x0: {  	(tag) =	ssettag $0x1  }
0x1: {  	s0 =	stileid.u32  }
0x2: {  	s1 =	srdreg.scid;
	s4 =	rddreg [dreg:$0x0];
	s7 =	simm.s32 $0x1  }
0x3: {  	s8 =	simm.s32 $0x2;
	s17 =	simm.s32 $0x0;
	s12 =	simm.s32 $0x400  }
0x4: {  	s13 =	simm.s32 $0x1000;
	s2 =	sshll.u32 s0, $0x4;
	s1 =	sshll.u32 s1, $0x8  }
0x5: {  	s18 =	simm.s32 $0x0;
	s19 =	simm.s32 $0x0;
	s1 =	sor.u32 s2, s1  }
0x6: {  	s14 =	simm.s32 $0x0;
	s2 =	rddreg [dreg:$0x1];
	s3 =	sand.u32 $0x180, s1  }
0x7: {  	s16 =	simm.s32 $0x0;
	s1 =	rddreg [dreg:$0x2];
	s6 =	ssub.s32 $0x200, s3  }
0x8: {  	_ =	strace $0x80000047;
	s5 =	sshll.u32 s3, $0x4;
	s31 =	sand.u32 $0x180, s6  }
0x9: {  	s10 =	sadd.s32 s5, s4;
	s5 =	simm.s32 $0x1;
	p0 =	sne.s32 s31, $0x0  }
.Ltmp0:
0xa: {  	s6 =	sshrl.u32 s6, $0x9;
	s7 =	simm.s32 @!p0 $0x0;
	(pc) =	sbr.rel .LBB1_1-.Ltmp0, $4  }
0xb: {  	s4 =	sand.u32 $0x7, s0;
	[sflag:s5] =	ssyncpa.u1 $0x0;
	s6 =	sadd.s32 s7, s6  }
0xc: {  	s9 =	sadd.s32 $0x5400, s10;
	s15 =	smov.u32 s4;
	s6 =	smul.u32 $0x31, s6  }
0xd: {  	[sflag:s8] =	ssyncpa.u1 $0x0;
	s8 =	sadd.s32 $0x3400, s10;
	p0 =	por $0x0, $0x0  }
0xe: {  	s7 =	sadd.s32 $0x1400, s10;
	s10 =	sadd.s32 $0x7400, s10;
	s11 =	sadd.s32 $0x1, s6  }
.LBB1_7:
0xf: {  	s20 =	sadd.s32 $0x4, s14  }
0x10: {  	s18 =	sadd.s32 $0x8, s15;
	s21 =	smov.u32 s15;
	p2 =	sgt.s32 s20, $0xC3  }
0x11: {  	s21 =	smov.u32 @p2 s18  }
0x12: {  	s20 =	simm.s32 @p2 $0x0;
	p2 =	sgt.s32 s21, $0x7  }
0x13: {  	s21 =	smov.u32 @p2 s4;
	p2 =	sne.s32 s16, s11  }
.Ltmp1:
0x14: {  	p1 =	slt.u32 s16, $0x2;
	(pc) =	sbr.rel @!p2 .LBB1_8-.Ltmp1, $4  }
0x15: {  	s19 =	smov.u32 s15;
	s17 =	simm.s32 @!p1 $0x2  }
0x16: {  	p0 =	por !p0, !p0;
	_ =	swait.ge @!p1 [sflag:s17], $0x2000;
	s18 =	smov.u32 s14  }
0x17: {  	[sflag:s17] =	ssyncset.done @!p1 $0x0;
	s14 =	smov.u32 s20;
	s16 =	sadd.s32 $0x1, s16  }
0x18: {  	[sflag:s17] =	ssyncadd.s32 @!p1 $0xFFFFE000;
	s17 =	smov.u32 s3;
	s15 =	smov.u32 s21  }
.LBB1_1:
0x19: {  	p1 =	sge.u32 s16, s6  }
0x1a: {  	s21 =	smul.u32 @!p1 $0x188000, s15  }
0x1b: {  	s20 =	sxor.u32 @!p1 $0xFFFFFFFF, s16;
	s22 =	sshll.u32 @!p1 s14, $0xD  }
0x1c: {  	s24 =	simm.s32 @!p1 $0x10;
	s20 =	sshll.u32 @!p1 s20, $0xD;
	s23 =	sadd.s32 @!p1 s21, s22  }
0x1d: {  	s25 =	simm.s32 @!p1 $0x80;
	s20 =	sand.u32 @!p1 $0x2000, s20;
	s23 =	sadd.s32 @!p1 s7, s23  }
0x1e: {  	[tilespmem:s20], [sflag:$0x1] =	stream.strided.gather @!p1 [hbm4b:s23+s24], $0x800, s25, s24, $0x38;
	[tilespmem:$0x8080] =	vst v63  }
0x1f: {  	s23 =	sadd.s32 @!p1 s21, s8  }
0x20: {  	s26 =	sor.u32 @!p1 $0x800, s20;
	s23 =	sadd.s32 @!p1 s22, s23  }
0x21: {  	[tilespmem:s26], [sflag:$0x1] =	stream.strided.gather @!p1 [hbm4b:s23+s24], $0x800, s25, s24, $0x38;
	[tilespmem:$0x8080] =	vst v63  }
0x22: {  	s23 =	sadd.s32 @!p1 s21, s9  }
0x23: {  	s26 =	sor.u32 @!p1 $0x1000, s20;
	s21 =	sadd.s32 @!p1 s21, s10;
	s23 =	sadd.s32 @!p1 s22, s23  }
0x24: {  	[tilespmem:s26], [sflag:$0x1] =	stream.strided.gather @!p1 [hbm4b:s23+s24], $0x800, s25, s24, $0x38;
	[tilespmem:$0x8080] =	vst v63  }
0x25: {  	s31 =	sadd.s32 $0xFFFFFFFF, s16;
	s20 =	sor.u32 @!p1 $0x1800, s20;
	s21 =	sadd.s32 @!p1 s22, s21  }
0x26: {  	[tilespmem:s20], [sflag:$0x1] =	stream.strided.gather @!p1 [hbm4b:s21+s24], $0x800, s25, s24, $0x38;
	[tilespmem:$0x8080] =	vst v63  }
0x27: {  	p1 =	sge.u32 s31, s6  }
.Ltmp2:
0x28: {  	_ = 	snop;
	(pc) =	sbr.rel @p1 .LBB1_7-.Ltmp2, $1  }
0x29: {  	_ =	sdelay $0x3  }
0x2a: {  	s21 =	simm.s32 $0x1;
	s22 =	sand.u32 $0x1, s16  }
0x2b: {  	_ =	swait.ge [sflag:s5], $0x2000;
	s21 =	simm.s32 @!p0 $0x0;
	s23 =	smul.u32 $0x8100, s22  }
0x2c: {  	[sflag:s5] =	ssyncset.done $0x0;
	s20 =	smul.u32 $0x8100, s21  }
0x2d: {  	s21 =	sshll.u32 s21, $0xD;
	[sflag:s5] =	ssyncadd.s32 $0xFFFFE000  }
0x2e: {  	s22 =	sor.u32 $0x40, s21;
	s31 =	sshrl.u32 s23, $0x2;
	s20 =	sshrl.u32 s20, $0x2  }
0x2f: {  	s23 =	simm.s32 $0x0;
	s21 =	sor.u32 $0x4000, s31;
	s20 =	sor.u32 $0x4007, s20  }
.LBB1_3:
0x30: {  	v3 =	vld [tilespmem:s22+$0x30]  }
0x31: {  	v4 =	vld [tilespmem:s22+$0xFFFFFFD0]  }
0x32: {  	v5 =	vld [tilespmem:s22+$0xFFFFFFE0]  }
0x33: {  	v1 =	vld [tilespmem:s22+$0xFFFFFFF0]  }
0x34: {  	v0 =	vld [tilespmem:s22+$0x0]  }
0x35: {  	v2 =	vld [tilespmem:s22+$0x10];
	[tilespmem:s20+$0x0 ss:$0x81] =	vst.msk $0xffff, v3  }
0x36: {  	[tilespmem:s20+$0xFFFFFFFA ss:$0x81] =	vst.msk $0xffff, v4;
	v4 =	vld [tilespmem:s22+$0x20]  }
0x37: {  	s25 =	simm.s32 $0x0;
	s26 =	sadd.s32 $0x80, s22;
	s24 =	smov.u32 s20;
	v3 =	vld [tilespmem:s22+$0xFFFFFFC0];
	[tilespmem:s20+$0xFFFFFFFB ss:$0x81] =	vst.msk $0xffff, v5  }
.LBB1_4:
0x38: {  	v5 =	vld [tilespmem:s26+$0x30];
	s25 =	sadd.s32 $0x8, s25;
	[tilespmem:s24+$0xFFFFFFFC ss:$0x81] =	vst.msk $0xffff, v1  }
0x39: {  	v6 =	vld [tilespmem:s26+$0xFFFFFFD0];
	p1 =	slt.u32 s25, $0x78;
	[tilespmem:s24+$0xFFFFFFFD ss:$0x81] =	vst.msk $0xffff, v0  }
0x3a: {  	v7 =	vld [tilespmem:s26+$0xFFFFFFE0];
	[tilespmem:s24+$0xFFFFFFFE ss:$0x81] =	vst.msk $0xffff, v2  }
.Ltmp3:
0x3b: {  	v1 =	vld [tilespmem:s26+$0xFFFFFFF0];
	[tilespmem:s24+$0xFFFFFFFF ss:$0x81] =	vst.msk $0xffff, v4;
	(pc) =	sbr.rel @p1 .LBB1_4-.Ltmp3, $4  }
0x3c: {  	v0 =	vld [tilespmem:s26+$0x0];
	[tilespmem:s24+$0xFFFFFFF9 ss:$0x81] =	vst.msk $0xffff, v3;
	s24 =	sadd.s32 $0x8, s24  }
0x3d: {  	v2 =	vld [tilespmem:s26+$0x10];
	[tilespmem:s24+$0x0 ss:$0x81] =	vst.msk $0xffff, v5  }
0x3e: {  	[tilespmem:s24+$0xFFFFFFFA ss:$0x81] =	vst.msk $0xffff, v6;
	v4 =	vld [tilespmem:s26+$0x20]  }
0x3f: {  	v3 =	vld [tilespmem:s26+$0xFFFFFFC0];
	[tilespmem:s24+$0xFFFFFFFB ss:$0x81] =	vst.msk $0xffff, v7;
	s26 =	sadd.s32 $0x80, s26  }
0x40: {  	s23 =	sadd.s32 $0x1, s23  }
0x41: {  	p1 =	sne.s32 s23, $0x4  }
.Ltmp4:
0x42: {  	[tilespmem:s24+$0xFFFFFFFC ss:$0x81] =	vst.msk $0xffff, v1;
	(pc) =	sbr.rel @p1 .LBB1_3-.Ltmp4, $4  }
0x43: {  	[tilespmem:s24+$0xFFFFFFFD ss:$0x81] =	vst.msk $0xffff, v0  }
0x44: {  	[tilespmem:s24+$0xFFFFFFFE ss:$0x81] =	vst.msk $0xffff, v2  }
0x45: {  	[tilespmem:s24+$0xFFFFFFFF ss:$0x81] =	vst.msk $0xffff, v4  }
0x46: {  	s20 =	sadd.s32 $0x810, s20;
	s22 =	sadd.s32 $0x800, s22;
	[tilespmem:s24+$0xFFFFFFF9 ss:$0x81] =	vst.msk $0xffff, v3  }
0x47: {  	s19 =	smul.u32 $0x31000, s19  }
.Ltmp5:
0x48: {  	_ = 	snop;
	(pc) =	sbr.rel .LBB1_7-.Ltmp5, $4  }
0x49: {  	s18 =	sshll.u32 s18, $0xA;
	s19 =	sadd.s32 s2, s19  }
0x4a: {  	s18 =	sadd.s32 s18, s19  }
0x4b: {  	s17 =	sadd.s32 s17, s18  }
0x4c: {  	[hbm4b:s17+s12] =	stream.strided.scatter [tilespmem:s21], [sflag:$0x2], $0x2000, s13, s12, $0x20;
	[tilespmem:$0x8080] =	vst v63  }
.LBB1_8:
0x4d: {  	_ =	sfence.sel $0x180000  }
0x4e: {  	s2 =	simm.s32 $0x1;
	[bflag:$0x0] =	sbarrier.arrive $0xFFFF  }
0x4f: {  	s31 =	simm.s32 $0x2;
	[sflag:s2] =	ssyncpa.u1 $0x1  }
0x50: {  	[sflag:s31] =	ssyncpa.u1 $0x1  }
0x51: {  	p0 =	sne.s32 s0, $0x0;
	_ =	strace $0x90000047  }
0x52: {  	s0 =	sadd.s32 @!p0 $0x100000, s1;
	[bflag:$0x2] =	sbarrier.arrive $0xFFFF  }
0x53: {  	[sflag:s0] =	ssyncadd.tile.s32 @!p0 $0x1;
	_ =	shalt  }
.Lfunc_end1:
_tile_overlayer_lowered:
.L_overlay_start_2:
0x54: {  	(tag) =	ssettag $0x2  }
0x55: {  	s0 =	rddreg [dreg:$0x0];
	s2 =	stileid.u32  }
0x56: {  	s1 =	rddreg [dreg:$0x1];
	p0 =	sne.s32 s2, $0x0  }
0x57: {  	s3 =	rddreg [dreg:$0x2];
	[bflag:$0x3] =	sbarrier.arrive $0xFFFF;
	s2 =	simm.s32 @!p0 $0x1C01  }
0x58: {  	[timem:s3], [sflag:s2] =	dma.local @!p0 [hbm:s0], s1  }
0x59: {  	s0 =	simm.s32 @!p0 $0x1  }
0x5a: {  	_ =	swait.ge @!p0 [sflag:s0], s1  }
0x5b: {  	s1 =	ssub.s32 @!p0 $0x0, s1;
	[sflag:s0] =	ssyncset.done @!p0 $0x0  }
0x5c: {  	[sflag:s0] =	ssyncadd.s32 @!p0 s1  }
0x5d: {  	[bflag:$0x3] =	sbarrier.arrive $0xFFFF  }
0x5e: {  	_ =	shalt  }

</sc_bundles>
